<compile_context>
chip_gen: v7x
topology: tpu7x:2x2x1
jax: 0.10.2.dev20260603
libtpu: 0.0.44.dev20260713+nightly
codegen_flags: <defaults>
</compile_context>

<pallas_src>
import functools

import jax
import jax.numpy as jnp
from jax import lax
from jax.experimental import pallas as pl
from jax.experimental.pallas import tpu as pltpu
from jax.experimental.pallas import tpu_sc as plsc

_LANES = 16
_CHUNK = 32768
_LG = _CHUNK.bit_length() - 1


@functools.cache
def _make_pack(V, D):
    nblk = -(-V // _CHUNK)
    q = _CHUNK // 4

    def body(t_ref, o_ref):
        xb = t_ref[...].astype(jnp.bfloat16)
        eye = jnp.eye(D, dtype=jnp.bfloat16)
        t = lax.dot_general(
            xb, eye, (((0,), (0,)), ((), ())),
            preferred_element_type=jnp.float32,
        )
        bits = lax.bitcast_convert_type(t, jnp.uint32)
        himask = jnp.uint32(0xFFFF0000)
        q0, q1, q2, q3 = (bits[k * q:(k + 1) * q] for k in range(4))
        o_ref[:, 0:D] = (q0 >> 16) | (q2 & himask)
        o_ref[:, D:2 * D] = (q1 >> 16) | (q3 & himask)

    return pl.pallas_call(
        body,
        grid=(nblk,),
        in_specs=[pl.BlockSpec((D, _CHUNK), lambda i: (0, i))],
        out_specs=pl.BlockSpec((q, 2 * D), lambda i: (i, 0)),
        out_shape=jax.ShapeDtypeStruct((nblk * q, 2 * D), jnp.uint32),
    )


@functools.cache
def _make_pool(B, L, D, rows_packed):
    info = plsc.get_sparse_core_info()
    nw = info.num_cores * info.num_subcores
    bpw = B // nw
    nchunks = D // _LANES
    nidx = bpw * L

    mesh = plsc.VectorSubcoreMesh(core_axis_name="c", subcore_axis_name="s")

    @functools.partial(
        pl.kernel,
        out_type=jax.ShapeDtypeStruct((B, D), jnp.float32),
        mesh=mesh,
        compiler_params=pltpu.CompilerParams(use_tc_tiling_on_sc=False),
        scratch_types=[
            pltpu.VMEM((nidx,), jnp.int32),
            pltpu.VMEM((nidx + _LANES,), jnp.int32),
            pltpu.VMEM((2, L, D), jnp.uint32),
            pltpu.VMEM((bpw, D), jnp.float32),
            pltpu.SemaphoreType.DMA,
            pltpu.SemaphoreType.DMA,
        ],
    )
    def pool(x_hbm, emb_hbm, out_hbm, idx_v, sh_v, rows_v,
             pooled_v, sem0, sem1):
        wid = lax.axis_index("s") * info.num_cores + lax.axis_index("c")
        base = wid * bpw
        pltpu.sync_copy(x_hbm.at[pl.ds(base * L, nidx)], idx_v)

        def rewrite(j, carry):
            v = idx_v[pl.ds(j * _LANES, _LANES)]
            u = v & (_CHUNK - 1)
            w = u & (_CHUNK // 4 - 1)
            qt = u >> (_LG - 2)
            m = ((v >> _LG) << (_LG - 1)) | (w << 1) | (qt & 1)
            idx_v[pl.ds(j * _LANES, _LANES)] = m
            sh_v[pl.ds(j * _LANES, _LANES)] = ((qt >> 1) ^ 1) << 4
            return carry

        lax.fori_loop(0, nidx // _LANES, rewrite, 0, unroll=8)

        sems = (sem0, sem1)

        def start(b, t):
            pltpu.async_copy(
                emb_hbm.at[idx_v.at[pl.ds(b * L, L)]], rows_v.at[t], sems[t]
            )

        def wait(t):
            pltpu.make_async_copy(
                emb_hbm.at[idx_v.at[pl.ds(0, L)]], rows_v.at[t], sems[t]
            ).wait()

        start(0, 0)
        start(1, 1)
        scale = jnp.float32(1.0 / L)
        himask = jnp.uint32(0xFFFF0000)

        def acc_body(b, t):
            grp = 8

            def body(kk, acc):
                pv = sh_v[pl.ds(b * L + kk * grp, _LANES)]
                acc = list(acc)
                for j in range(grp):
                    r = kk * grp + j
                    shv = jnp.full((_LANES,), pv[j], jnp.uint32)
                    for i in range(nchunks):
                        w = rows_v[t, r, pl.ds(_LANES * i, _LANES)]
                        val = lax.bitcast_convert_type(
                            (w << shv) & himask, jnp.float32
                        )
                        acc[i] = acc[i] + val
                return tuple(acc)

            zero = jnp.zeros((_LANES,), jnp.float32)
            return lax.fori_loop(0, L // grp, body, (zero,) * nchunks)

        def outer(j, carry):
            for t in range(2):
                b = 2 * j + t
                wait(t)
                acc = acc_body(b, t)

                @pl.when(b + 2 < bpw)
                def _():
                    start(b + 2, t)

                for i in range(nchunks):
                    pooled_v[b, pl.ds(_LANES * i, _LANES)] = acc[i] * scale
            return carry

        lax.fori_loop(0, bpw // 2, outer, 0)
        pltpu.sync_copy(pooled_v, out_hbm.at[pl.ds(base, bpw)])

    return pool


@functools.cache
def _make_mlp(B, D, H, C, blk=512):
    def body(p_ref, w1_ref, b1_ref, w2_ref, b2_ref, o_ref):
        h = jnp.dot(p_ref[...], w1_ref[...], preferred_element_type=jnp.float32)
        h = jnp.maximum(h + b1_ref[...], 0.0)
        o_ref[...] = (
            jnp.dot(h, w2_ref[...], preferred_element_type=jnp.float32)
            + b2_ref[...]
        )

    return pl.pallas_call(
        body,
        grid=(B // blk,),
        in_specs=[
            pl.BlockSpec((blk, D), lambda i: (i, 0)),
            pl.BlockSpec((D, H), lambda i: (0, 0)),
            pl.BlockSpec((1, H), lambda i: (0, 0)),
            pl.BlockSpec((H, C), lambda i: (0, 0)),
            pl.BlockSpec((1, C), lambda i: (0, 0)),
        ],
        out_specs=pl.BlockSpec((blk, C), lambda i: (i, 0)),
        out_shape=jax.ShapeDtypeStruct((B, C), jnp.float32),
    )


def kernel(x, emb_table, W1, b1, W2, b2):
    B, L = x.shape
    V, D = emb_table.shape
    H = W1.shape[1]
    C = W2.shape[1]
    packed = _make_pack(V, D)(emb_table.T)
    emb32 = packed.reshape(2 * packed.shape[0], D)
    pooled = _make_pool(B, L, D, emb32.shape[0])(x.reshape(B * L), emb32)
    return _make_mlp(B, D, H, C)(
        pooled, W1, b1.reshape(1, H), W2, b2.reshape(1, C)
    )

# --- scband reference (transcript-rebuilt; emitter-appended) ---
"""Pipeline reference for scband-simple-text-classifier-46265387712646 (READ-ONLY COPY).

The authoritative reference and input builder live on the scoring server;
editing this copy changes nothing except your own understanding.
"""

import jax, jax.numpy as jnp
import numpy as np

VOCAB = 1000000
EMBED_DIM = 64
HIDDEN_DIM = 256
NUM_CLASSES = 2
BATCH = 4096
HIST = 200


def setup_inputs(seed: int = 0) -> dict:
    key = jax.random.key(seed)
    k_idx, k_emb, k_w1, k_b1, k_w2, k_b2 = jax.random.split(key, 6)
    x = jax.random.randint(k_idx, (BATCH, HIST), 0, VOCAB, dtype=jnp.int64 if jax.config.jax_enable_x64 else jnp.int32).astype(jnp.int32)
    emb_table = jax.random.normal(k_emb, (VOCAB, EMBED_DIM), dtype=jnp.float32) * 0.02
    W1 = jax.random.normal(k_w1, (EMBED_DIM, HIDDEN_DIM), dtype=jnp.float32) * (1.0 / np.sqrt(EMBED_DIM))
    b1 = jax.random.normal(k_b1, (HIDDEN_DIM,), dtype=jnp.float32) * 0.01
    W2 = jax.random.normal(k_w2, (HIDDEN_DIM, NUM_CLASSES), dtype=jnp.float32) * (1.0 / np.sqrt(HIDDEN_DIM))
    b2 = jax.random.normal(k_b2, (NUM_CLASSES,), dtype=jnp.float32) * 0.01
    return {"x": x, "emb_table": emb_table, "W1": W1, "b1": b1, "W2": W2, "b2": b2}


def reference(x, emb_table, W1, b1, W2, b2):
    # embedding lookup: gather rows of the table
    embedded = jnp.take(emb_table, x, axis=0)            # [B, L, D]
    embedded = jnp.mean(embedded, axis=1)                 # [B, D]
    out = embedded @ W1 + b1                              # [B, H]
    out = jax.nn.relu(out)
    # dropout is identity in eval mode
    out = out @ W2 + b2                                   # [B, C]
    return out

if __name__ == "__main__":
    import jax
    _d = setup_inputs()
    print(jax.jit(kernel)(*tuple(_d.values())))

</pallas_src>

<mosaic_0001>
#map = affine_map<(d0, d1) -> (0)>
#map1 = affine_map<(d0, d1) -> (0, 0)>
module attributes {stable_mosaic.version = 14 : i64} {
  func.func @pool(%arg0: i32, %arg1: i32, %arg2: memref<819200xi32, #tpu.memory_space<hbm>>, %arg3: memref<507904x64xi32, #tpu.memory_space<hbm>>, %arg4: memref<4096x64xf32, #tpu.memory_space<hbm>>, %arg5: memref<25600xi32, #tpu.memory_space<vmem>>, %arg6: memref<25616xi32, #tpu.memory_space<vmem>>, %arg7: memref<2x200x64xi32, #tpu.memory_space<vmem>>, %arg8: memref<128x64xf32, #tpu.memory_space<vmem>>, %arg9: memref<!tpu.dma_semaphore, #tpu.memory_space<semaphore_mem>>, %arg10: memref<!tpu.dma_semaphore, #tpu.memory_space<semaphore_mem>>) attributes {dimension_semantics = [#tpu.dimension_semantics<core_parallel>, #tpu.dimension_semantics<subcore_parallel>], iteration_bounds = array<i64: 2, 16>, scalar_prefetch = 0 : i64, scratch_operands = 6 : i64, tpu.core_type = #tpu.core_type<sc_vector_subcore>, window_params = [{transform_indices = #map}, {transform_indices = #map1}, {transform_indices = #map1}]} {
    %mul3A = arith.constant 2 : i32
    %mul3A_0 = arith.muli %arg1, %mul3A : i32
    %add3A = arith.addi %mul3A_0, %arg0 : i32
    %mul3A_1 = arith.constant 128 : i32
    %mul3A_2 = arith.muli %add3A, %mul3A_1 : i32
    %mul3A_3 = arith.constant 200 : i32
    %mul3A_4 = arith.muli %mul3A_2, %mul3A_3 : i32
    "tpu.region"() ({
      %run_scoped3A = tpu.sem_alloc : memref<!tpu.dma_semaphore, #tpu.memory_space<semaphore_mem>>
      %dma_start3A_37 = tpu.memref_slice %arg2[%mul3A_4] : memref<819200xi32, #tpu.memory_space<hbm>> -> memref<25600xi32, #tpu.memory_space<hbm>>
      %dma_start3A_38 = tpu.memref_slice %arg2[%mul3A_4] : memref<819200xi32, #tpu.memory_space<hbm>> -> memref<25600xi32, #tpu.memory_space<hbm>>
      tpu.enqueue_dma source(%dma_start3A_38 : memref<25600xi32, #tpu.memory_space<hbm>>) target(%arg5 : memref<25600xi32, #tpu.memory_space<vmem>>) target_semaphore(%run_scoped3A : memref<!tpu.dma_semaphore, #tpu.memory_space<semaphore_mem>>)
      %dma_wait3A = tpu.memref_slice %arg2[%mul3A_4] : memref<819200xi32, #tpu.memory_space<hbm>> -> memref<25600xi32, #tpu.memory_space<hbm>>
      %dma_wait3A_39 = tpu.memref_slice %arg2[%mul3A_4] : memref<819200xi32, #tpu.memory_space<hbm>> -> memref<25600xi32, #tpu.memory_space<hbm>>
      tpu.wait_dma2 semaphore(%run_scoped3A : memref<!tpu.dma_semaphore, #tpu.memory_space<semaphore_mem>>) src(%dma_wait3A_39 : memref<25600xi32, #tpu.memory_space<hbm>>) dst(%arg5 : memref<25600xi32, #tpu.memory_space<vmem>>)
      tpu.yield
    }) : () -> ()
    %scan3A = arith.constant 0 : i32
    %scan3A_5 = arith.constant 0 : i32
    %scan3A_6 = arith.constant 1600 : i32
    %scan3A_7 = arith.addi %scan3A_5, %scan3A_6 : i32
    %scan3A_8 = arith.constant 8 : i32
    scf.for %scan3A_37 = %scan3A_5 to %scan3A_7 step %scan3A_8  : i32 {
      %mul3A_38 = arith.constant 16 : i32
      %mul3A_39 = arith.muli %scan3A_37, %mul3A_38 : i32
      %get3A = arith.index_cast %mul3A_39 : i32 to index
      %get3A_40 = tpu.vector_load %arg5[%get3A] {strides = array<i32>} : memref<25600xi32, #tpu.memory_space<vmem>>, vector<16xi32>,
      %get3A_41 = vector.shape_cast %get3A_40 : vector<16xi32> to vector<16xi32>
      %and3A = arith.constant 32767 : i32
      %and3A_42 = vector.broadcast %and3A : i32 to vector<16xi32>
      %and3A_43 = arith.andi %get3A_41, %and3A_42 : vector<16xi32>
      %and3A_44 = arith.constant 8191 : i32
      %and3A_45 = vector.broadcast %and3A_44 : i32 to vector<16xi32>
      %and3A_46 = arith.andi %and3A_43, %and3A_45 : vector<16xi32>
      %shift_right_arithmetic3A = arith.constant 13 : i32
      %shift_right_arithmetic3A_47 = vector.broadcast %shift_right_arithmetic3A : i32 to vector<16xi32>
      %shift_right_arithmetic3A_48 = arith.shrsi %and3A_43, %shift_right_arithmetic3A_47 : vector<16xi32>
      %shift_right_arithmetic3A_49 = arith.constant 15 : i32
      %shift_right_arithmetic3A_50 = vector.broadcast %shift_right_arithmetic3A_49 : i32 to vector<16xi32>
      %shift_right_arithmetic3A_51 = arith.shrsi %get3A_41, %shift_right_arithmetic3A_50 : vector<16xi32>
      %shift_left3A = arith.constant 14 : i32
      %shift_left3A_52 = vector.broadcast %shift_left3A : i32 to vector<16xi32>
      %shift_left3A_53 = arith.shli %shift_right_arithmetic3A_51, %shift_left3A_52 : vector<16xi32>
      %shift_left3A_54 = arith.constant 1 : i32
      %shift_left3A_55 = vector.broadcast %shift_left3A_54 : i32 to vector<16xi32>
      %shift_left3A_56 = arith.shli %and3A_46, %shift_left3A_55 : vector<16xi32>
      %or3A = arith.ori %shift_left3A_53, %shift_left3A_56 : vector<16xi32>
      %and3A_57 = arith.constant 1 : i32
      %and3A_58 = vector.broadcast %and3A_57 : i32 to vector<16xi32>
      %and3A_59 = arith.andi %shift_right_arithmetic3A_48, %and3A_58 : vector<16xi32>
      %or3A_60 = arith.ori %or3A, %and3A_59 : vector<16xi32>
      %mul3A_61 = arith.constant 16 : i32
      %mul3A_62 = arith.muli %scan3A_37, %mul3A_61 : i32
      %swap3A = arith.index_cast %mul3A_62 : i32 to index
      %swap3A_63 = tpu.vector_load %arg5[%swap3A] {strides = array<i32>} : memref<25600xi32, #tpu.memory_space<vmem>>, vector<16xi32>,
      %swap3A_64 = vector.shape_cast %swap3A_63 : vector<16xi32> to vector<16xi32>
      %swap3A_65 = vector.shape_cast %or3A_60 : vector<16xi32> to vector<16xi32>
      tpu.vector_store %arg5[%swap3A], %swap3A_65 {strides = array<i32>} : memref<25600xi32, #tpu.memory_space<vmem>>, vector<16xi32>,
      %shift_right_arithmetic3A_66 = arith.constant 1 : i32
      %shift_right_arithmetic3A_67 = vector.broadcast %shift_right_arithmetic3A_66 : i32 to vector<16xi32>
      %shift_right_arithmetic3A_68 = arith.shrsi %shift_right_arithmetic3A_48, %shift_right_arithmetic3A_67 : vector<16xi32>
      %xor3A = arith.constant 1 : i32
      %xor3A_69 = vector.broadcast %xor3A : i32 to vector<16xi32>
      %xor3A_70 = arith.xori %shift_right_arithmetic3A_68, %xor3A_69 : vector<16xi32>
      %shift_left3A_71 = arith.constant 4 : i32
      %shift_left3A_72 = vector.broadcast %shift_left3A_71 : i32 to vector<16xi32>
      %shift_left3A_73 = arith.shli %xor3A_70, %shift_left3A_72 : vector<16xi32>
      %mul3A_74 = arith.constant 16 : i32
      %mul3A_75 = arith.muli %scan3A_37, %mul3A_74 : i32
      %swap3A_76 = arith.index_cast %mul3A_75 : i32 to index
      %swap3A_77 = tpu.vector_load %arg6[%swap3A_76] {strides = array<i32>} : memref<25616xi32, #tpu.memory_space<vmem>>, vector<16xi32>,
      %swap3A_78 = vector.shape_cast %swap3A_77 : vector<16xi32> to vector<16xi32>
      %swap3A_79 = vector.shape_cast %shift_left3A_73 : vector<16xi32> to vector<16xi32>
      tpu.vector_store %arg6[%swap3A_76], %swap3A_79 {strides = array<i32>} : memref<25616xi32, #tpu.memory_space<vmem>>, vector<16xi32>,
      %scan3A_80 = arith.constant 1 : i32
      %scan3A_81 = arith.addi %scan3A_37, %scan3A_80 : i32
      %mul3A_82 = arith.constant 16 : i32
      %mul3A_83 = arith.muli %scan3A_81, %mul3A_82 : i32
      %get3A_84 = arith.index_cast %mul3A_83 : i32 to index
      %get3A_85 = tpu.vector_load %arg5[%get3A_84] {strides = array<i32>} : memref<25600xi32, #tpu.memory_space<vmem>>, vector<16xi32>,
      %get3A_86 = vector.shape_cast %get3A_85 : vector<16xi32> to vector<16xi32>
      %and3A_87 = arith.constant 32767 : i32
      %and3A_88 = vector.broadcast %and3A_87 : i32 to vector<16xi32>
      %and3A_89 = arith.andi %get3A_86, %and3A_88 : vector<16xi32>
      %and3A_90 = arith.constant 8191 : i32
      %and3A_91 = vector.broadcast %and3A_90 : i32 to vector<16xi32>
      %and3A_92 = arith.andi %and3A_89, %and3A_91 : vector<16xi32>
      %shift_right_arithmetic3A_93 = arith.constant 13 : i32
      %shift_right_arithmetic3A_94 = vector.broadcast %shift_right_arithmetic3A_93 : i32 to vector<16xi32>
      %shift_right_arithmetic3A_95 = arith.shrsi %and3A_89, %shift_right_arithmetic3A_94 : vector<16xi32>
      %shift_right_arithmetic3A_96 = arith.constant 15 : i32
      %shift_right_arithmetic3A_97 = vector.broadcast %shift_right_arithmetic3A_96 : i32 to vector<16xi32>
      %shift_right_arithmetic3A_98 = arith.shrsi %get3A_86, %shift_right_arithmetic3A_97 : vector<16xi32>
      %shift_left3A_99 = arith.constant 14 : i32
      %shift_left3A_100 = vector.broadcast %shift_left3A_99 : i32 to vector<16xi32>
      %shift_left3A_101 = arith.shli %shift_right_arithmetic3A_98, %shift_left3A_100 : vector<16xi32>
      %shift_left3A_102 = arith.constant 1 : i32
      %shift_left3A_103 = vector.broadcast %shift_left3A_102 : i32 to vector<16xi32>
      %shift_left3A_104 = arith.shli %and3A_92, %shift_left3A_103 : vector<16xi32>
      %or3A_105 = arith.ori %shift_left3A_101, %shift_left3A_104 : vector<16xi32>
      %and3A_106 = arith.constant 1 : i32
      %and3A_107 = vector.broadcast %and3A_106 : i32 to vector<16xi32>
      %and3A_108 = arith.andi %shift_right_arithmetic3A_95, %and3A_107 : vector<16xi32>
      %or3A_109 = arith.ori %or3A_105, %and3A_108 : vector<16xi32>
      %mul3A_110 = arith.constant 16 : i32
      %mul3A_111 = arith.muli %scan3A_81, %mul3A_110 : i32
      %swap3A_112 = arith.index_cast %mul3A_111 : i32 to index
      %swap3A_113 = tpu.vector_load %arg5[%swap3A_112] {strides = array<i32>} : memref<25600xi32, #tpu.memory_space<vmem>>, vector<16xi32>,
      %swap3A_114 = vector.shape_cast %swap3A_113 : vector<16xi32> to vector<16xi32>
      %swap3A_115 = vector.shape_cast %or3A_109 : vector<16xi32> to vector<16xi32>
      tpu.vector_store %arg5[%swap3A_112], %swap3A_115 {strides = array<i32>} : memref<25600xi32, #tpu.memory_space<vmem>>, vector<16xi32>,
      %shift_right_arithmetic3A_116 = arith.constant 1 : i32
      %shift_right_arithmetic3A_117 = vector.broadcast %shift_right_arithmetic3A_116 : i32 to vector<16xi32>
      %shift_right_arithmetic3A_118 = arith.shrsi %shift_right_arithmetic3A_95, %shift_right_arithmetic3A_117 : vector<16xi32>
      %xor3A_119 = arith.constant 1 : i32
      %xor3A_120 = vector.broadcast %xor3A_119 : i32 to vector<16xi32>
      %xor3A_121 = arith.xori %shift_right_arithmetic3A_118, %xor3A_120 : vector<16xi32>
      %shift_left3A_122 = arith.constant 4 : i32
      %shift_left3A_123 = vector.broadcast %shift_left3A_122 : i32 to vector<16xi32>
      %shift_left3A_124 = arith.shli %xor3A_121, %shift_left3A_123 : vector<16xi32>
      %mul3A_125 = arith.constant 16 : i32
      %mul3A_126 = arith.muli %scan3A_81, %mul3A_125 : i32
      %swap3A_127 = arith.index_cast %mul3A_126 : i32 to index
      %swap3A_128 = tpu.vector_load %arg6[%swap3A_127] {strides = array<i32>} : memref<25616xi32, #tpu.memory_space<vmem>>, vector<16xi32>,
      %swap3A_129 = vector.shape_cast %swap3A_128 : vector<16xi32> to vector<16xi32>
      %swap3A_130 = vector.shape_cast %shift_left3A_124 : vector<16xi32> to vector<16xi32>
      tpu.vector_store %arg6[%swap3A_127], %swap3A_130 {strides = array<i32>} : memref<25616xi32, #tpu.memory_space<vmem>>, vector<16xi32>,
      %scan3A_131 = arith.constant 2 : i32
      %scan3A_132 = arith.addi %scan3A_37, %scan3A_131 : i32
      %mul3A_133 = arith.constant 16 : i32
      %mul3A_134 = arith.muli %scan3A_132, %mul3A_133 : i32
      %get3A_135 = arith.index_cast %mul3A_134 : i32 to index
      %get3A_136 = tpu.vector_load %arg5[%get3A_135] {strides = array<i32>} : memref<25600xi32, #tpu.memory_space<vmem>>, vector<16xi32>,
      %get3A_137 = vector.shape_cast %get3A_136 : vector<16xi32> to vector<16xi32>
      %and3A_138 = arith.constant 32767 : i32
      %and3A_139 = vector.broadcast %and3A_138 : i32 to vector<16xi32>
      %and3A_140 = arith.andi %get3A_137, %and3A_139 : vector<16xi32>
      %and3A_141 = arith.constant 8191 : i32
      %and3A_142 = vector.broadcast %and3A_141 : i32 to vector<16xi32>
      %and3A_143 = arith.andi %and3A_140, %and3A_142 : vector<16xi32>
      %shift_right_arithmetic3A_144 = arith.constant 13 : i32
      %shift_right_arithmetic3A_145 = vector.broadcast %shift_right_arithmetic3A_144 : i32 to vector<16xi32>
      %shift_right_arithmetic3A_146 = arith.shrsi %and3A_140, %shift_right_arithmetic3A_145 : vector<16xi32>
      %shift_right_arithmetic3A_147 = arith.constant 15 : i32
      %shift_right_arithmetic3A_148 = vector.broadcast %shift_right_arithmetic3A_147 : i32 to vector<16xi32>
      %shift_right_arithmetic3A_149 = arith.shrsi %get3A_137, %shift_right_arithmetic3A_148 : vector<16xi32>
      %shift_left3A_150 = arith.constant 14 : i32
      %shift_left3A_151 = vector.broadcast %shift_left3A_150 : i32 to vector<16xi32>
      %shift_left3A_152 = arith.shli %shift_right_arithmetic3A_149, %shift_left3A_151 : vector<16xi32>
      %shift_left3A_153 = arith.constant 1 : i32
      %shift_left3A_154 = vector.broadcast %shift_left3A_153 : i32 to vector<16xi32>
      %shift_left3A_155 = arith.shli %and3A_143, %shift_left3A_154 : vector<16xi32>
      %or3A_156 = arith.ori %shift_left3A_152, %shift_left3A_155 : vector<16xi32>
      %and3A_157 = arith.constant 1 : i32
      %and3A_158 = vector.broadcast %and3A_157 : i32 to vector<16xi32>
      %and3A_159 = arith.andi %shift_right_arithmetic3A_146, %and3A_158 : vector<16xi32>
      %or3A_160 = arith.ori %or3A_156, %and3A_159 : vector<16xi32>
      %mul3A_161 = arith.constant 16 : i32
      %mul3A_162 = arith.muli %scan3A_132, %mul3A_161 : i32
      %swap3A_163 = arith.index_cast %mul3A_162 : i32 to index
      %swap3A_164 = tpu.vector_load %arg5[%swap3A_163] {strides = array<i32>} : memref<25600xi32, #tpu.memory_space<vmem>>, vector<16xi32>,
      %swap3A_165 = vector.shape_cast %swap3A_164 : vector<16xi32> to vector<16xi32>
      %swap3A_166 = vector.shape_cast %or3A_160 : vector<16xi32> to vector<16xi32>
      tpu.vector_store %arg5[%swap3A_163], %swap3A_166 {strides = array<i32>} : memref<25600xi32, #tpu.memory_space<vmem>>, vector<16xi32>,
      %shift_right_arithmetic3A_167 = arith.constant 1 : i32
      %shift_right_arithmetic3A_168 = vector.broadcast %shift_right_arithmetic3A_167 : i32 to vector<16xi32>
      %shift_right_arithmetic3A_169 = arith.shrsi %shift_right_arithmetic3A_146, %shift_right_arithmetic3A_168 : vector<16xi32>
      %xor3A_170 = arith.constant 1 : i32
      %xor3A_171 = vector.broadcast %xor3A_170 : i32 to vector<16xi32>
      %xor3A_172 = arith.xori %shift_right_arithmetic3A_169, %xor3A_171 : vector<16xi32>
      %shift_left3A_173 = arith.constant 4 : i32
      %shift_left3A_174 = vector.broadcast %shift_left3A_173 : i32 to vector<16xi32>
      %shift_left3A_175 = arith.shli %xor3A_172, %shift_left3A_174 : vector<16xi32>
      %mul3A_176 = arith.constant 16 : i32
      %mul3A_177 = arith.muli %scan3A_132, %mul3A_176 : i32
      %swap3A_178 = arith.index_cast %mul3A_177 : i32 to index
      %swap3A_179 = tpu.vector_load %arg6[%swap3A_178] {strides = array<i32>} : memref<25616xi32, #tpu.memory_space<vmem>>, vector<16xi32>,
      %swap3A_180 = vector.shape_cast %swap3A_179 : vector<16xi32> to vector<16xi32>
      %swap3A_181 = vector.shape_cast %shift_left3A_175 : vector<16xi32> to vector<16xi32>
      tpu.vector_store %arg6[%swap3A_178], %swap3A_181 {strides = array<i32>} : memref<25616xi32, #tpu.memory_space<vmem>>, vector<16xi32>,
      %scan3A_182 = arith.constant 3 : i32
      %scan3A_183 = arith.addi %scan3A_37, %scan3A_182 : i32
      %mul3A_184 = arith.constant 16 : i32
      %mul3A_185 = arith.muli %scan3A_183, %mul3A_184 : i32
      %get3A_186 = arith.index_cast %mul3A_185 : i32 to index
      %get3A_187 = tpu.vector_load %arg5[%get3A_186] {strides = array<i32>} : memref<25600xi32, #tpu.memory_space<vmem>>, vector<16xi32>,
      %get3A_188 = vector.shape_cast %get3A_187 : vector<16xi32> to vector<16xi32>
      %and3A_189 = arith.constant 32767 : i32
      %and3A_190 = vector.broadcast %and3A_189 : i32 to vector<16xi32>
      %and3A_191 = arith.andi %get3A_188, %and3A_190 : vector<16xi32>
      %and3A_192 = arith.constant 8191 : i32
      %and3A_193 = vector.broadcast %and3A_192 : i32 to vector<16xi32>
      %and3A_194 = arith.andi %and3A_191, %and3A_193 : vector<16xi32>
      %shift_right_arithmetic3A_195 = arith.constant 13 : i32
      %shift_right_arithmetic3A_196 = vector.broadcast %shift_right_arithmetic3A_195 : i32 to vector<16xi32>
      %shift_right_arithmetic3A_197 = arith.shrsi %and3A_191, %shift_right_arithmetic3A_196 : vector<16xi32>
      %shift_right_arithmetic3A_198 = arith.constant 15 : i32
      %shift_right_arithmetic3A_199 = vector.broadcast %shift_right_arithmetic3A_198 : i32 to vector<16xi32>
      %shift_right_arithmetic3A_200 = arith.shrsi %get3A_188, %shift_right_arithmetic3A_199 : vector<16xi32>
      %shift_left3A_201 = arith.constant 14 : i32
      %shift_left3A_202 = vector.broadcast %shift_left3A_201 : i32 to vector<16xi32>
      %shift_left3A_203 = arith.shli %shift_right_arithmetic3A_200, %shift_left3A_202 : vector<16xi32>
      %shift_left3A_204 = arith.constant 1 : i32
      %shift_left3A_205 = vector.broadcast %shift_left3A_204 : i32 to vector<16xi32>
      %shift_left3A_206 = arith.shli %and3A_194, %shift_left3A_205 : vector<16xi32>
      %or3A_207 = arith.ori %shift_left3A_203, %shift_left3A_206 : vector<16xi32>
      %and3A_208 = arith.constant 1 : i32
      %and3A_209 = vector.broadcast %and3A_208 : i32 to vector<16xi32>
      %and3A_210 = arith.andi %shift_right_arithmetic3A_197, %and3A_209 : vector<16xi32>
      %or3A_211 = arith.ori %or3A_207, %and3A_210 : vector<16xi32>
      %mul3A_212 = arith.constant 16 : i32
      %mul3A_213 = arith.muli %scan3A_183, %mul3A_212 : i32
      %swap3A_214 = arith.index_cast %mul3A_213 : i32 to index
      %swap3A_215 = tpu.vector_load %arg5[%swap3A_214] {strides = array<i32>} : memref<25600xi32, #tpu.memory_space<vmem>>, vector<16xi32>,
      %swap3A_216 = vector.shape_cast %swap3A_215 : vector<16xi32> to vector<16xi32>
      %swap3A_217 = vector.shape_cast %or3A_211 : vector<16xi32> to vector<16xi32>
      tpu.vector_store %arg5[%swap3A_214], %swap3A_217 {strides = array<i32>} : memref<25600xi32, #tpu.memory_space<vmem>>, vector<16xi32>,
      %shift_right_arithmetic3A_218 = arith.constant 1 : i32
      %shift_right_arithmetic3A_219 = vector.broadcast %shift_right_arithmetic3A_218 : i32 to vector<16xi32>
      %shift_right_arithmetic3A_220 = arith.shrsi %shift_right_arithmetic3A_197, %shift_right_arithmetic3A_219 : vector<16xi32>
      %xor3A_221 = arith.constant 1 : i32
      %xor3A_222 = vector.broadcast %xor3A_221 : i32 to vector<16xi32>
      %xor3A_223 = arith.xori %shift_right_arithmetic3A_220, %xor3A_222 : vector<16xi32>
      %shift_left3A_224 = arith.constant 4 : i32
      %shift_left3A_225 = vector.broadcast %shift_left3A_224 : i32 to vector<16xi32>
      %shift_left3A_226 = arith.shli %xor3A_223, %shift_left3A_225 : vector<16xi32>
      %mul3A_227 = arith.constant 16 : i32
      %mul3A_228 = arith.muli %scan3A_183, %mul3A_227 : i32
      %swap3A_229 = arith.index_cast %mul3A_228 : i32 to index
      %swap3A_230 = tpu.vector_load %arg6[%swap3A_229] {strides = array<i32>} : memref<25616xi32, #tpu.memory_space<vmem>>, vector<16xi32>,
      %swap3A_231 = vector.shape_cast %swap3A_230 : vector<16xi32> to vector<16xi32>
      %swap3A_232 = vector.shape_cast %shift_left3A_226 : vector<16xi32> to vector<16xi32>
      tpu.vector_store %arg6[%swap3A_229], %swap3A_232 {strides = array<i32>} : memref<25616xi32, #tpu.memory_space<vmem>>, vector<16xi32>,
      %scan3A_233 = arith.constant 4 : i32
      %scan3A_234 = arith.addi %scan3A_37, %scan3A_233 : i32
      %mul3A_235 = arith.constant 16 : i32
      %mul3A_236 = arith.muli %scan3A_234, %mul3A_235 : i32
      %get3A_237 = arith.index_cast %mul3A_236 : i32 to index
      %get3A_238 = tpu.vector_load %arg5[%get3A_237] {strides = array<i32>} : memref<25600xi32, #tpu.memory_space<vmem>>, vector<16xi32>,
      %get3A_239 = vector.shape_cast %get3A_238 : vector<16xi32> to vector<16xi32>
      %and3A_240 = arith.constant 32767 : i32
      %and3A_241 = vector.broadcast %and3A_240 : i32 to vector<16xi32>
      %and3A_242 = arith.andi %get3A_239, %and3A_241 : vector<16xi32>
      %and3A_243 = arith.constant 8191 : i32
      %and3A_244 = vector.broadcast %and3A_243 : i32 to vector<16xi32>
      %and3A_245 = arith.andi %and3A_242, %and3A_244 : vector<16xi32>
      %shift_right_arithmetic3A_246 = arith.constant 13 : i32
      %shift_right_arithmetic3A_247 = vector.broadcast %shift_right_arithmetic3A_246 : i32 to vector<16xi32>
      %shift_right_arithmetic3A_248 = arith.shrsi %and3A_242, %shift_right_arithmetic3A_247 : vector<16xi32>
      %shift_right_arithmetic3A_249 = arith.constant 15 : i32
      %shift_right_arithmetic3A_250 = vector.broadcast %shift_right_arithmetic3A_249 : i32 to vector<16xi32>
      %shift_right_arithmetic3A_251 = arith.shrsi %get3A_239, %shift_right_arithmetic3A_250 : vector<16xi32>
      %shift_left3A_252 = arith.constant 14 : i32
      %shift_left3A_253 = vector.broadcast %shift_left3A_252 : i32 to vector<16xi32>
      %shift_left3A_254 = arith.shli %shift_right_arithmetic3A_251, %shift_left3A_253 : vector<16xi32>
      %shift_left3A_255 = arith.constant 1 : i32
      %shift_left3A_256 = vector.broadcast %shift_left3A_255 : i32 to vector<16xi32>
      %shift_left3A_257 = arith.shli %and3A_245, %shift_left3A_256 : vector<16xi32>
      %or3A_258 = arith.ori %shift_left3A_254, %shift_left3A_257 : vector<16xi32>
      %and3A_259 = arith.constant 1 : i32
      %and3A_260 = vector.broadcast %and3A_259 : i32 to vector<16xi32>
      %and3A_261 = arith.andi %shift_right_arithmetic3A_248, %and3A_260 : vector<16xi32>
      %or3A_262 = arith.ori %or3A_258, %and3A_261 : vector<16xi32>
      %mul3A_263 = arith.constant 16 : i32
      %mul3A_264 = arith.muli %scan3A_234, %mul3A_263 : i32
      %swap3A_265 = arith.index_cast %mul3A_264 : i32 to index
      %swap3A_266 = tpu.vector_load %arg5[%swap3A_265] {strides = array<i32>} : memref<25600xi32, #tpu.memory_space<vmem>>, vector<16xi32>,
      %swap3A_267 = vector.shape_cast %swap3A_266 : vector<16xi32> to vector<16xi32>
      %swap3A_268 = vector.shape_cast %or3A_262 : vector<16xi32> to vector<16xi32>
      tpu.vector_store %arg5[%swap3A_265], %swap3A_268 {strides = array<i32>} : memref<25600xi32, #tpu.memory_space<vmem>>, vector<16xi32>,
      %shift_right_arithmetic3A_269 = arith.constant 1 : i32
      %shift_right_arithmetic3A_270 = vector.broadcast %shift_right_arithmetic3A_269 : i32 to vector<16xi32>
      %shift_right_arithmetic3A_271 = arith.shrsi %shift_right_arithmetic3A_248, %shift_right_arithmetic3A_270 : vector<16xi32>
      %xor3A_272 = arith.constant 1 : i32
      %xor3A_273 = vector.broadcast %xor3A_272 : i32 to vector<16xi32>
      %xor3A_274 = arith.xori %shift_right_arithmetic3A_271, %xor3A_273 : vector<16xi32>
      %shift_left3A_275 = arith.constant 4 : i32
      %shift_left3A_276 = vector.broadcast %shift_left3A_275 : i32 to vector<16xi32>
      %shift_left3A_277 = arith.shli %xor3A_274, %shift_left3A_276 : vector<16xi32>
      %mul3A_278 = arith.constant 16 : i32
      %mul3A_279 = arith.muli %scan3A_234, %mul3A_278 : i32
      %swap3A_280 = arith.index_cast %mul3A_279 : i32 to index
      %swap3A_281 = tpu.vector_load %arg6[%swap3A_280] {strides = array<i32>} : memref<25616xi32, #tpu.memory_space<vmem>>, vector<16xi32>,
      %swap3A_282 = vector.shape_cast %swap3A_281 : vector<16xi32> to vector<16xi32>
      %swap3A_283 = vector.shape_cast %shift_left3A_277 : vector<16xi32> to vector<16xi32>
      tpu.vector_store %arg6[%swap3A_280], %swap3A_283 {strides = array<i32>} : memref<25616xi32, #tpu.memory_space<vmem>>, vector<16xi32>,
      %scan3A_284 = arith.constant 5 : i32
      %scan3A_285 = arith.addi %scan3A_37, %scan3A_284 : i32
      %mul3A_286 = arith.constant 16 : i32
      %mul3A_287 = arith.muli %scan3A_285, %mul3A_286 : i32
      %get3A_288 = arith.index_cast %mul3A_287 : i32 to index
      %get3A_289 = tpu.vector_load %arg5[%get3A_288] {strides = array<i32>} : memref<25600xi32, #tpu.memory_space<vmem>>, vector<16xi32>,
      %get3A_290 = vector.shape_cast %get3A_289 : vector<16xi32> to vector<16xi32>
      %and3A_291 = arith.constant 32767 : i32
      %and3A_292 = vector.broadcast %and3A_291 : i32 to vector<16xi32>
      %and3A_293 = arith.andi %get3A_290, %and3A_292 : vector<16xi32>
      %and3A_294 = arith.constant 8191 : i32
      %and3A_295 = vector.broadcast %and3A_294 : i32 to vector<16xi32>
      %and3A_296 = arith.andi %and3A_293, %and3A_295 : vector<16xi32>
      %shift_right_arithmetic3A_297 = arith.constant 13 : i32
      %shift_right_arithmetic3A_298 = vector.broadcast %shift_right_arithmetic3A_297 : i32 to vector<16xi32>
      %shift_right_arithmetic3A_299 = arith.shrsi %and3A_293, %shift_right_arithmetic3A_298 : vector<16xi32>
      %shift_right_arithmetic3A_300 = arith.constant 15 : i32
      %shift_right_arithmetic3A_301 = vector.broadcast %shift_right_arithmetic3A_300 : i32 to vector<16xi32>
      %shift_right_arithmetic3A_302 = arith.shrsi %get3A_290, %shift_right_arithmetic3A_301 : vector<16xi32>
      %shift_left3A_303 = arith.constant 14 : i32
      %shift_left3A_304 = vector.broadcast %shift_left3A_303 : i32 to vector<16xi32>
      %shift_left3A_305 = arith.shli %shift_right_arithmetic3A_302, %shift_left3A_304 : vector<16xi32>
      %shift_left3A_306 = arith.constant 1 : i32
      %shift_left3A_307 = vector.broadcast %shift_left3A_306 : i32 to vector<16xi32>
      %shift_left3A_308 = arith.shli %and3A_296, %shift_left3A_307 : vector<16xi32>
      %or3A_309 = arith.ori %shift_left3A_305, %shift_left3A_308 : vector<16xi32>
      %and3A_310 = arith.constant 1 : i32
      %and3A_311 = vector.broadcast %and3A_310 : i32 to vector<16xi32>
      %and3A_312 = arith.andi %shift_right_arithmetic3A_299, %and3A_311 : vector<16xi32>
      %or3A_313 = arith.ori %or3A_309, %and3A_312 : vector<16xi32>
      %mul3A_314 = arith.constant 16 : i32
      %mul3A_315 = arith.muli %scan3A_285, %mul3A_314 : i32
      %swap3A_316 = arith.index_cast %mul3A_315 : i32 to index
      %swap3A_317 = tpu.vector_load %arg5[%swap3A_316] {strides = array<i32>} : memref<25600xi32, #tpu.memory_space<vmem>>, vector<16xi32>,
      %swap3A_318 = vector.shape_cast %swap3A_317 : vector<16xi32> to vector<16xi32>
      %swap3A_319 = vector.shape_cast %or3A_313 : vector<16xi32> to vector<16xi32>
      tpu.vector_store %arg5[%swap3A_316], %swap3A_319 {strides = array<i32>} : memref<25600xi32, #tpu.memory_space<vmem>>, vector<16xi32>,
      %shift_right_arithmetic3A_320 = arith.constant 1 : i32
      %shift_right_arithmetic3A_321 = vector.broadcast %shift_right_arithmetic3A_320 : i32 to vector<16xi32>
      %shift_right_arithmetic3A_322 = arith.shrsi %shift_right_arithmetic3A_299, %shift_right_arithmetic3A_321 : vector<16xi32>
      %xor3A_323 = arith.constant 1 : i32
      %xor3A_324 = vector.broadcast %xor3A_323 : i32 to vector<16xi32>
      %xor3A_325 = arith.xori %shift_right_arithmetic3A_322, %xor3A_324 : vector<16xi32>
      %shift_left3A_326 = arith.constant 4 : i32
      %shift_left3A_327 = vector.broadcast %shift_left3A_326 : i32 to vector<16xi32>
      %shift_left3A_328 = arith.shli %xor3A_325, %shift_left3A_327 : vector<16xi32>
      %mul3A_329 = arith.constant 16 : i32
      %mul3A_330 = arith.muli %scan3A_285, %mul3A_329 : i32
      %swap3A_331 = arith.index_cast %mul3A_330 : i32 to index
      %swap3A_332 = tpu.vector_load %arg6[%swap3A_331] {strides = array<i32>} : memref<25616xi32, #tpu.memory_space<vmem>>, vector<16xi32>,
      %swap3A_333 = vector.shape_cast %swap3A_332 : vector<16xi32> to vector<16xi32>
      %swap3A_334 = vector.shape_cast %shift_left3A_328 : vector<16xi32> to vector<16xi32>
      tpu.vector_store %arg6[%swap3A_331], %swap3A_334 {strides = array<i32>} : memref<25616xi32, #tpu.memory_space<vmem>>, vector<16xi32>,
      %scan3A_335 = arith.constant 6 : i32
      %scan3A_336 = arith.addi %scan3A_37, %scan3A_335 : i32
      %mul3A_337 = arith.constant 16 : i32
      %mul3A_338 = arith.muli %scan3A_336, %mul3A_337 : i32
      %get3A_339 = arith.index_cast %mul3A_338 : i32 to index
      %get3A_340 = tpu.vector_load %arg5[%get3A_339] {strides = array<i32>} : memref<25600xi32, #tpu.memory_space<vmem>>, vector<16xi32>,
      %get3A_341 = vector.shape_cast %get3A_340 : vector<16xi32> to vector<16xi32>
      %and3A_342 = arith.constant 32767 : i32
      %and3A_343 = vector.broadcast %and3A_342 : i32 to vector<16xi32>
      %and3A_344 = arith.andi %get3A_341, %and3A_343 : vector<16xi32>
      %and3A_345 = arith.constant 8191 : i32
      %and3A_346 = vector.broadcast %and3A_345 : i32 to vector<16xi32>
      %and3A_347 = arith.andi %and3A_344, %and3A_346 : vector<16xi32>
      %shift_right_arithmetic3A_348 = arith.constant 13 : i32
      %shift_right_arithmetic3A_349 = vector.broadcast %shift_right_arithmetic3A_348 : i32 to vector<16xi32>
      %shift_right_arithmetic3A_350 = arith.shrsi %and3A_344, %shift_right_arithmetic3A_349 : vector<16xi32>
      %shift_right_arithmetic3A_351 = arith.constant 15 : i32
      %shift_right_arithmetic3A_352 = vector.broadcast %shift_right_arithmetic3A_351 : i32 to vector<16xi32>
      %shift_right_arithmetic3A_353 = arith.shrsi %get3A_341, %shift_right_arithmetic3A_352 : vector<16xi32>
      %shift_left3A_354 = arith.constant 14 : i32
      %shift_left3A_355 = vector.broadcast %shift_left3A_354 : i32 to vector<16xi32>
      %shift_left3A_356 = arith.shli %shift_right_arithmetic3A_353, %shift_left3A_355 : vector<16xi32>
      %shift_left3A_357 = arith.constant 1 : i32
      %shift_left3A_358 = vector.broadcast %shift_left3A_357 : i32 to vector<16xi32>
      %shift_left3A_359 = arith.shli %and3A_347, %shift_left3A_358 : vector<16xi32>
      %or3A_360 = arith.ori %shift_left3A_356, %shift_left3A_359 : vector<16xi32>
      %and3A_361 = arith.constant 1 : i32
      %and3A_362 = vector.broadcast %and3A_361 : i32 to vector<16xi32>
      %and3A_363 = arith.andi %shift_right_arithmetic3A_350, %and3A_362 : vector<16xi32>
      %or3A_364 = arith.ori %or3A_360, %and3A_363 : vector<16xi32>
      %mul3A_365 = arith.constant 16 : i32
      %mul3A_366 = arith.muli %scan3A_336, %mul3A_365 : i32
      %swap3A_367 = arith.index_cast %mul3A_366 : i32 to index
      %swap3A_368 = tpu.vector_load %arg5[%swap3A_367] {strides = array<i32>} : memref<25600xi32, #tpu.memory_space<vmem>>, vector<16xi32>,
      %swap3A_369 = vector.shape_cast %swap3A_368 : vector<16xi32> to vector<16xi32>
      %swap3A_370 = vector.shape_cast %or3A_364 : vector<16xi32> to vector<16xi32>
      tpu.vector_store %arg5[%swap3A_367], %swap3A_370 {strides = array<i32>} : memref<25600xi32, #tpu.memory_space<vmem>>, vector<16xi32>,
      %shift_right_arithmetic3A_371 = arith.constant 1 : i32
      %shift_right_arithmetic3A_372 = vector.broadcast %shift_right_arithmetic3A_371 : i32 to vector<16xi32>
      %shift_right_arithmetic3A_373 = arith.shrsi %shift_right_arithmetic3A_350, %shift_right_arithmetic3A_372 : vector<16xi32>
      %xor3A_374 = arith.constant 1 : i32
      %xor3A_375 = vector.broadcast %xor3A_374 : i32 to vector<16xi32>
      %xor3A_376 = arith.xori %shift_right_arithmetic3A_373, %xor3A_375 : vector<16xi32>
      %shift_left3A_377 = arith.constant 4 : i32
      %shift_left3A_378 = vector.broadcast %shift_left3A_377 : i32 to vector<16xi32>
      %shift_left3A_379 = arith.shli %xor3A_376, %shift_left3A_378 : vector<16xi32>
      %mul3A_380 = arith.constant 16 : i32
      %mul3A_381 = arith.muli %scan3A_336, %mul3A_380 : i32
      %swap3A_382 = arith.index_cast %mul3A_381 : i32 to index
      %swap3A_383 = tpu.vector_load %arg6[%swap3A_382] {strides = array<i32>} : memref<25616xi32, #tpu.memory_space<vmem>>, vector<16xi32>,
      %swap3A_384 = vector.shape_cast %swap3A_383 : vector<16xi32> to vector<16xi32>
      %swap3A_385 = vector.shape_cast %shift_left3A_379 : vector<16xi32> to vector<16xi32>
      tpu.vector_store %arg6[%swap3A_382], %swap3A_385 {strides = array<i32>} : memref<25616xi32, #tpu.memory_space<vmem>>, vector<16xi32>,
      %scan3A_386 = arith.constant 7 : i32
      %scan3A_387 = arith.addi %scan3A_37, %scan3A_386 : i32
      %mul3A_388 = arith.constant 16 : i32
      %mul3A_389 = arith.muli %scan3A_387, %mul3A_388 : i32
      %get3A_390 = arith.index_cast %mul3A_389 : i32 to index
      %get3A_391 = tpu.vector_load %arg5[%get3A_390] {strides = array<i32>} : memref<25600xi32, #tpu.memory_space<vmem>>, vector<16xi32>,
      %get3A_392 = vector.shape_cast %get3A_391 : vector<16xi32> to vector<16xi32>
      %and3A_393 = arith.constant 32767 : i32
      %and3A_394 = vector.broadcast %and3A_393 : i32 to vector<16xi32>
      %and3A_395 = arith.andi %get3A_392, %and3A_394 : vector<16xi32>
      %and3A_396 = arith.constant 8191 : i32
      %and3A_397 = vector.broadcast %and3A_396 : i32 to vector<16xi32>
      %and3A_398 = arith.andi %and3A_395, %and3A_397 : vector<16xi32>
      %shift_right_arithmetic3A_399 = arith.constant 13 : i32
      %shift_right_arithmetic3A_400 = vector.broadcast %shift_right_arithmetic3A_399 : i32 to vector<16xi32>
      %shift_right_arithmetic3A_401 = arith.shrsi %and3A_395, %shift_right_arithmetic3A_400 : vector<16xi32>
      %shift_right_arithmetic3A_402 = arith.constant 15 : i32
      %shift_right_arithmetic3A_403 = vector.broadcast %shift_right_arithmetic3A_402 : i32 to vector<16xi32>
      %shift_right_arithmetic3A_404 = arith.shrsi %get3A_392, %shift_right_arithmetic3A_403 : vector<16xi32>
      %shift_left3A_405 = arith.constant 14 : i32
      %shift_left3A_406 = vector.broadcast %shift_left3A_405 : i32 to vector<16xi32>
      %shift_left3A_407 = arith.shli %shift_right_arithmetic3A_404, %shift_left3A_406 : vector<16xi32>
      %shift_left3A_408 = arith.constant 1 : i32
      %shift_left3A_409 = vector.broadcast %shift_left3A_408 : i32 to vector<16xi32>
      %shift_left3A_410 = arith.shli %and3A_398, %shift_left3A_409 : vector<16xi32>
      %or3A_411 = arith.ori %shift_left3A_407, %shift_left3A_410 : vector<16xi32>
      %and3A_412 = arith.constant 1 : i32
      %and3A_413 = vector.broadcast %and3A_412 : i32 to vector<16xi32>
      %and3A_414 = arith.andi %shift_right_arithmetic3A_401, %and3A_413 : vector<16xi32>
      %or3A_415 = arith.ori %or3A_411, %and3A_414 : vector<16xi32>
      %mul3A_416 = arith.constant 16 : i32
      %mul3A_417 = arith.muli %scan3A_387, %mul3A_416 : i32
      %swap3A_418 = arith.index_cast %mul3A_417 : i32 to index
      %swap3A_419 = tpu.vector_load %arg5[%swap3A_418] {strides = array<i32>} : memref<25600xi32, #tpu.memory_space<vmem>>, vector<16xi32>,
      %swap3A_420 = vector.shape_cast %swap3A_419 : vector<16xi32> to vector<16xi32>
      %swap3A_421 = vector.shape_cast %or3A_415 : vector<16xi32> to vector<16xi32>
      tpu.vector_store %arg5[%swap3A_418], %swap3A_421 {strides = array<i32>} : memref<25600xi32, #tpu.memory_space<vmem>>, vector<16xi32>,
      %shift_right_arithmetic3A_422 = arith.constant 1 : i32
      %shift_right_arithmetic3A_423 = vector.broadcast %shift_right_arithmetic3A_422 : i32 to vector<16xi32>
      %shift_right_arithmetic3A_424 = arith.shrsi %shift_right_arithmetic3A_401, %shift_right_arithmetic3A_423 : vector<16xi32>
      %xor3A_425 = arith.constant 1 : i32
      %xor3A_426 = vector.broadcast %xor3A_425 : i32 to vector<16xi32>
      %xor3A_427 = arith.xori %shift_right_arithmetic3A_424, %xor3A_426 : vector<16xi32>
      %shift_left3A_428 = arith.constant 4 : i32
      %shift_left3A_429 = vector.broadcast %shift_left3A_428 : i32 to vector<16xi32>
      %shift_left3A_430 = arith.shli %xor3A_427, %shift_left3A_429 : vector<16xi32>
      %mul3A_431 = arith.constant 16 : i32
      %mul3A_432 = arith.muli %scan3A_387, %mul3A_431 : i32
      %swap3A_433 = arith.index_cast %mul3A_432 : i32 to index
      %swap3A_434 = tpu.vector_load %arg6[%swap3A_433] {strides = array<i32>} : memref<25616xi32, #tpu.memory_space<vmem>>, vector<16xi32>,
      %swap3A_435 = vector.shape_cast %swap3A_434 : vector<16xi32> to vector<16xi32>
      %swap3A_436 = vector.shape_cast %shift_left3A_430 : vector<16xi32> to vector<16xi32>
      tpu.vector_store %arg6[%swap3A_433], %swap3A_436 {strides = array<i32>} : memref<25616xi32, #tpu.memory_space<vmem>>, vector<16xi32>,
    }
    %scan3A_9 = arith.constant 1600 : i32
    %dma_start3A = arith.constant 0 : i32
    %dma_start3A_10 = arith.constant 0 : i32
    %dma_start3A_11 = arith.constant 0 : i32
    %dma_start3A_12 = tpu.memref_slice %arg7[%dma_start3A, %dma_start3A_10, %dma_start3A_11] : memref<2x200x64xi32, #tpu.memory_space<vmem>> -> memref<1x200x64xi32, #tpu.memory_space<vmem>>
    %dma_start3A_13 = tpu.memref_squeeze %dma_start3A_12 : memref<1x200x64xi32, #tpu.memory_space<vmem>> -> memref<200x64xi32, #tpu.memory_space<vmem>>
    %dma_start3A_14 = arith.constant 0 : i32
    %dma_start3A_15 = tpu.memref_slice %arg5[%dma_start3A_14] : memref<25600xi32, #tpu.memory_space<vmem>> -> memref<200xi32, #tpu.memory_space<vmem>>
    %dma_start3A_16 = arith.constant 0 : i32
    %dma_start3A_17 = arith.constant 0 : i32
    %dma_start3A_18 = tpu.memref_slice %arg3[%dma_start3A_16, %dma_start3A_17] : memref<507904x64xi32, #tpu.memory_space<hbm>> -> memref<507904x64xi32, #tpu.memory_space<hbm>>
    tpu.enqueue_indirect_dma source(%dma_start3A_18 : memref<507904x64xi32, #tpu.memory_space<hbm>>) target(%dma_start3A_13 : memref<200x64xi32, #tpu.memory_space<vmem>>) offsets(%dma_start3A_15 : memref<200xi32, #tpu.memory_space<vmem>>) semaphore(%arg9 : memref<!tpu.dma_semaphore, #tpu.memory_space<semaphore_mem>>)
    %dma_start3A_19 = arith.constant 1 : i32
    %dma_start3A_20 = arith.constant 0 : i32
    %dma_start3A_21 = arith.constant 0 : i32
    %dma_start3A_22 = tpu.memref_slice %arg7[%dma_start3A_19, %dma_start3A_20, %dma_start3A_21] : memref<2x200x64xi32, #tpu.memory_space<vmem>> -> memref<1x200x64xi32, #tpu.memory_space<vmem>>
    %dma_start3A_23 = tpu.memref_squeeze %dma_start3A_22 : memref<1x200x64xi32, #tpu.memory_space<vmem>> -> memref<200x64xi32, #tpu.memory_space<vmem>>
    %dma_start3A_24 = arith.constant 200 : i32
    %dma_start3A_25 = tpu.memref_slice %arg5[%dma_start3A_24] : memref<25600xi32, #tpu.memory_space<vmem>> -> memref<200xi32, #tpu.memory_space<vmem>>
    %dma_start3A_26 = arith.constant 0 : i32
    %dma_start3A_27 = arith.constant 0 : i32
    %dma_start3A_28 = tpu.memref_slice %arg3[%dma_start3A_26, %dma_start3A_27] : memref<507904x64xi32, #tpu.memory_space<hbm>> -> memref<507904x64xi32, #tpu.memory_space<hbm>>
    tpu.enqueue_indirect_dma source(%dma_start3A_28 : memref<507904x64xi32, #tpu.memory_space<hbm>>) target(%dma_start3A_23 : memref<200x64xi32, #tpu.memory_space<vmem>>) offsets(%dma_start3A_25 : memref<200xi32, #tpu.memory_space<vmem>>) semaphore(%arg10 : memref<!tpu.dma_semaphore, #tpu.memory_space<semaphore_mem>>)
    %scan3A_29 = arith.constant 0 : i32
    %scan3A_30 = arith.constant -65536 : i32
    %scan3A_31 = arith.constant 5.000000e-03 : f32
    %scan3A_32 = arith.constant 0 : i32
    %scan3A_33 = arith.constant 64 : i32
    %scan3A_34 = arith.addi %scan3A_32, %scan3A_33 : i32
    %scan3A_35 = arith.constant 1 : i32
    scf.for %scan3A_37 = %scan3A_32 to %scan3A_34 step %scan3A_35  : i32 {
      %mul3A_38 = arith.constant 2 : i32
      %mul3A_39 = arith.muli %mul3A_38, %scan3A_37 : i32
      %add3A_40 = arith.constant 0 : i32
      %add3A_41 = arith.addi %mul3A_39, %add3A_40 : i32
      %dma_wait3A = arith.constant 0 : i32
      %dma_wait3A_42 = arith.constant 0 : i32
      %dma_wait3A_43 = arith.constant 0 : i32
      %dma_wait3A_44 = tpu.memref_slice %arg7[%dma_wait3A, %dma_wait3A_42, %dma_wait3A_43] : memref<2x200x64xi32, #tpu.memory_space<vmem>> -> memref<1x200x64xi32, #tpu.memory_space<vmem>>
      %dma_wait3A_45 = tpu.memref_squeeze %dma_wait3A_44 : memref<1x200x64xi32, #tpu.memory_space<vmem>> -> memref<200x64xi32, #tpu.memory_space<vmem>>
      %dma_wait3A_46 = arith.constant 0 : i32
      %dma_wait3A_47 = tpu.memref_slice %arg5[%dma_wait3A_46] : memref<25600xi32, #tpu.memory_space<vmem>> -> memref<200xi32, #tpu.memory_space<vmem>>
      %dma_wait3A_48 = arith.constant 0 : i32
      %dma_wait3A_49 = arith.constant 0 : i32
      %dma_wait3A_50 = tpu.memref_slice %arg3[%dma_wait3A_48, %dma_wait3A_49] : memref<507904x64xi32, #tpu.memory_space<hbm>> -> memref<507904x64xi32, #tpu.memory_space<hbm>>
      tpu.wait_indirect_dma semaphore(%arg9 : memref<!tpu.dma_semaphore, #tpu.memory_space<semaphore_mem>>) src(%dma_wait3A_50 : memref<507904x64xi32, #tpu.memory_space<hbm>>) dst(%dma_wait3A_45 : memref<200x64xi32, #tpu.memory_space<vmem>>)
      %broadcast_in_dim3A = arith.constant 0.000000e+00 : f32
      %broadcast_in_dim3A_51 = vector.broadcast %broadcast_in_dim3A : f32 to vector<16xf32>
      %scan3A_52 = arith.constant 0 : i32
      %scan3A_53 = arith.constant 25 : i32
      %scan3A_54 = arith.addi %scan3A_52, %scan3A_53 : i32
      %scan3A_55 = arith.constant 1 : i32
      %scan3A_56:4 = scf.for %scan3A_146 = %scan3A_52 to %scan3A_54 step %scan3A_55 iter_args(%scan3A_147 = %broadcast_in_dim3A_51, %scan3A_148 = %broadcast_in_dim3A_51, %scan3A_149 = %broadcast_in_dim3A_51, %scan3A_150 = %broadcast_in_dim3A_51) -> (vector<16xf32>, vector<16xf32>, vector<16xf32>, vector<16xf32>)  : i32 {
        %mul3A_151 = arith.constant 200 : i32
        %mul3A_152 = arith.muli %add3A_41, %mul3A_151 : i32
        %mul3A_153 = arith.constant 8 : i32
        %mul3A_154 = arith.muli %scan3A_146, %mul3A_153 : i32
        %add3A_155 = arith.addi %mul3A_152, %mul3A_154 : i32
        %get3A = arith.index_cast %add3A_155 : i32 to index
        %get3A_156 = tpu.vector_load %arg6[%get3A] {strides = array<i32>} : memref<25616xi32, #tpu.memory_space<vmem>>, vector<16xi32>,
        %get3A_157 = vector.shape_cast %get3A_156 : vector<16xi32> to vector<16xi32>
        %mul3A_158 = arith.constant 8 : i32
        %mul3A_159 = arith.muli %scan3A_146, %mul3A_158 : i32
        %add3A_160 = arith.constant 0 : i32
        %add3A_161 = arith.addi %mul3A_159, %add3A_160 : i32
        %slice3A = vector.extract_strided_slice %get3A_157 {offsets = [0], sizes = [1], strides = [1]} : vector<16xi32> to vector<1xi32>
        %squeeze3A = vector.extract %slice3A[0] : i32 from vector<1xi32>
        %broadcast_in_dim3A_162 = vector.broadcast %squeeze3A : i32 to vector<16xi32>
        %get3A_163 = arith.constant 0 : i32
        %get3A_164 = arith.index_cast %get3A_163 : i32 to index
        %get3A_165 = arith.index_cast %add3A_161 : i32 to index
        %get3A_166 = arith.constant 0 : index
        %get3A_167 = tpu.vector_load %arg7[%get3A_164, %get3A_165, %get3A_166] {strides = array<i32>} : memref<2x200x64xi32, #tpu.memory_space<vmem>>, vector<1x1x16xi32>,
        %get3A_168 = vector.shape_cast %get3A_167 : vector<1x1x16xi32> to vector<16xi32>
        %shift_left3A = arith.shli %get3A_168, %broadcast_in_dim3A_162 : vector<16xi32>
        %and3A = vector.broadcast %scan3A_30 : i32 to vector<16xi32>
        %and3A_169 = arith.andi %shift_left3A, %and3A : vector<16xi32>
        %bitcast_convert_type3A = tpu.bitcast %and3A_169 : vector<16xi32> -> vector<16xf32>
        %add3A_170 = arith.addf %scan3A_147, %bitcast_convert_type3A : vector<16xf32>
        %get3A_171 = arith.constant 0 : i32
        %get3A_172 = arith.index_cast %get3A_171 : i32 to index
        %get3A_173 = arith.index_cast %add3A_161 : i32 to index
        %get3A_174 = arith.constant 16 : index
        %get3A_175 = tpu.vector_load %arg7[%get3A_172, %get3A_173, %get3A_174] {strides = array<i32>} : memref<2x200x64xi32, #tpu.memory_space<vmem>>, vector<1x1x16xi32>,
        %get3A_176 = vector.shape_cast %get3A_175 : vector<1x1x16xi32> to vector<16xi32>
        %shift_left3A_177 = arith.shli %get3A_176, %broadcast_in_dim3A_162 : vector<16xi32>
        %and3A_178 = vector.broadcast %scan3A_30 : i32 to vector<16xi32>
        %and3A_179 = arith.andi %shift_left3A_177, %and3A_178 : vector<16xi32>
        %bitcast_convert_type3A_180 = tpu.bitcast %and3A_179 : vector<16xi32> -> vector<16xf32>
        %add3A_181 = arith.addf %scan3A_148, %bitcast_convert_type3A_180 : vector<16xf32>
        %get3A_182 = arith.constant 0 : i32
        %get3A_183 = arith.index_cast %get3A_182 : i32 to index
        %get3A_184 = arith.index_cast %add3A_161 : i32 to index
        %get3A_185 = arith.constant 32 : index
        %get3A_186 = tpu.vector_load %arg7[%get3A_183, %get3A_184, %get3A_185] {strides = array<i32>} : memref<2x200x64xi32, #tpu.memory_space<vmem>>, vector<1x1x16xi32>,
        %get3A_187 = vector.shape_cast %get3A_186 : vector<1x1x16xi32> to vector<16xi32>
        %shift_left3A_188 = arith.shli %get3A_187, %broadcast_in_dim3A_162 : vector<16xi32>
        %and3A_189 = vector.broadcast %scan3A_30 : i32 to vector<16xi32>
        %and3A_190 = arith.andi %shift_left3A_188, %and3A_189 : vector<16xi32>
        %bitcast_convert_type3A_191 = tpu.bitcast %and3A_190 : vector<16xi32> -> vector<16xf32>
        %add3A_192 = arith.addf %scan3A_149, %bitcast_convert_type3A_191 : vector<16xf32>
        %get3A_193 = arith.constant 0 : i32
        %get3A_194 = arith.index_cast %get3A_193 : i32 to index
        %get3A_195 = arith.index_cast %add3A_161 : i32 to index
        %get3A_196 = arith.constant 48 : index
        %get3A_197 = tpu.vector_load %arg7[%get3A_194, %get3A_195, %get3A_196] {strides = array<i32>} : memref<2x200x64xi32, #tpu.memory_space<vmem>>, vector<1x1x16xi32>,
        %get3A_198 = vector.shape_cast %get3A_197 : vector<1x1x16xi32> to vector<16xi32>
        %shift_left3A_199 = arith.shli %get3A_198, %broadcast_in_dim3A_162 : vector<16xi32>
        %and3A_200 = vector.broadcast %scan3A_30 : i32 to vector<16xi32>
        %and3A_201 = arith.andi %shift_left3A_199, %and3A_200 : vector<16xi32>
        %bitcast_convert_type3A_202 = tpu.bitcast %and3A_201 : vector<16xi32> -> vector<16xf32>
        %add3A_203 = arith.addf %scan3A_150, %bitcast_convert_type3A_202 : vector<16xf32>
        %mul3A_204 = arith.constant 8 : i32
        %mul3A_205 = arith.muli %scan3A_146, %mul3A_204 : i32
        %add3A_206 = arith.constant 1 : i32
        %add3A_207 = arith.addi %mul3A_205, %add3A_206 : i32
        %slice3A_208 = vector.extract_strided_slice %get3A_157 {offsets = [1], sizes = [1], strides = [1]} : vector<16xi32> to vector<1xi32>
        %squeeze3A_209 = vector.extract %slice3A_208[0] : i32 from vector<1xi32>
        %broadcast_in_dim3A_210 = vector.broadcast %squeeze3A_209 : i32 to vector<16xi32>
        %get3A_211 = arith.constant 0 : i32
        %get3A_212 = arith.index_cast %get3A_211 : i32 to index
        %get3A_213 = arith.index_cast %add3A_207 : i32 to index
        %get3A_214 = arith.constant 0 : index
        %get3A_215 = tpu.vector_load %arg7[%get3A_212, %get3A_213, %get3A_214] {strides = array<i32>} : memref<2x200x64xi32, #tpu.memory_space<vmem>>, vector<1x1x16xi32>,
        %get3A_216 = vector.shape_cast %get3A_215 : vector<1x1x16xi32> to vector<16xi32>
        %shift_left3A_217 = arith.shli %get3A_216, %broadcast_in_dim3A_210 : vector<16xi32>
        %and3A_218 = vector.broadcast %scan3A_30 : i32 to vector<16xi32>
        %and3A_219 = arith.andi %shift_left3A_217, %and3A_218 : vector<16xi32>
        %bitcast_convert_type3A_220 = tpu.bitcast %and3A_219 : vector<16xi32> -> vector<16xf32>
        %add3A_221 = arith.addf %add3A_170, %bitcast_convert_type3A_220 : vector<16xf32>
        %get3A_222 = arith.constant 0 : i32
        %get3A_223 = arith.index_cast %get3A_222 : i32 to index
        %get3A_224 = arith.index_cast %add3A_207 : i32 to index
        %get3A_225 = arith.constant 16 : index
        %get3A_226 = tpu.vector_load %arg7[%get3A_223, %get3A_224, %get3A_225] {strides = array<i32>} : memref<2x200x64xi32, #tpu.memory_space<vmem>>, vector<1x1x16xi32>,
        %get3A_227 = vector.shape_cast %get3A_226 : vector<1x1x16xi32> to vector<16xi32>
        %shift_left3A_228 = arith.shli %get3A_227, %broadcast_in_dim3A_210 : vector<16xi32>
        %and3A_229 = vector.broadcast %scan3A_30 : i32 to vector<16xi32>
        %and3A_230 = arith.andi %shift_left3A_228, %and3A_229 : vector<16xi32>
        %bitcast_convert_type3A_231 = tpu.bitcast %and3A_230 : vector<16xi32> -> vector<16xf32>
        %add3A_232 = arith.addf %add3A_181, %bitcast_convert_type3A_231 : vector<16xf32>
        %get3A_233 = arith.constant 0 : i32
        %get3A_234 = arith.index_cast %get3A_233 : i32 to index
        %get3A_235 = arith.index_cast %add3A_207 : i32 to index
        %get3A_236 = arith.constant 32 : index
        %get3A_237 = tpu.vector_load %arg7[%get3A_234, %get3A_235, %get3A_236] {strides = array<i32>} : memref<2x200x64xi32, #tpu.memory_space<vmem>>, vector<1x1x16xi32>,
        %get3A_238 = vector.shape_cast %get3A_237 : vector<1x1x16xi32> to vector<16xi32>
        %shift_left3A_239 = arith.shli %get3A_238, %broadcast_in_dim3A_210 : vector<16xi32>
        %and3A_240 = vector.broadcast %scan3A_30 : i32 to vector<16xi32>
        %and3A_241 = arith.andi %shift_left3A_239, %and3A_240 : vector<16xi32>
        %bitcast_convert_type3A_242 = tpu.bitcast %and3A_241 : vector<16xi32> -> vector<16xf32>
        %add3A_243 = arith.addf %add3A_192, %bitcast_convert_type3A_242 : vector<16xf32>
        %get3A_244 = arith.constant 0 : i32
        %get3A_245 = arith.index_cast %get3A_244 : i32 to index
        %get3A_246 = arith.index_cast %add3A_207 : i32 to index
        %get3A_247 = arith.constant 48 : index
        %get3A_248 = tpu.vector_load %arg7[%get3A_245, %get3A_246, %get3A_247] {strides = array<i32>} : memref<2x200x64xi32, #tpu.memory_space<vmem>>, vector<1x1x16xi32>,
        %get3A_249 = vector.shape_cast %get3A_248 : vector<1x1x16xi32> to vector<16xi32>
        %shift_left3A_250 = arith.shli %get3A_249, %broadcast_in_dim3A_210 : vector<16xi32>
        %and3A_251 = vector.broadcast %scan3A_30 : i32 to vector<16xi32>
        %and3A_252 = arith.andi %shift_left3A_250, %and3A_251 : vector<16xi32>
        %bitcast_convert_type3A_253 = tpu.bitcast %and3A_252 : vector<16xi32> -> vector<16xf32>
        %add3A_254 = arith.addf %add3A_203, %bitcast_convert_type3A_253 : vector<16xf32>
        %mul3A_255 = arith.constant 8 : i32
        %mul3A_256 = arith.muli %scan3A_146, %mul3A_255 : i32
        %add3A_257 = arith.constant 2 : i32
        %add3A_258 = arith.addi %mul3A_256, %add3A_257 : i32
        %slice3A_259 = vector.extract_strided_slice %get3A_157 {offsets = [2], sizes = [1], strides = [1]} : vector<16xi32> to vector<1xi32>
        %squeeze3A_260 = vector.extract %slice3A_259[0] : i32 from vector<1xi32>
        %broadcast_in_dim3A_261 = vector.broadcast %squeeze3A_260 : i32 to vector<16xi32>
        %get3A_262 = arith.constant 0 : i32
        %get3A_263 = arith.index_cast %get3A_262 : i32 to index
        %get3A_264 = arith.index_cast %add3A_258 : i32 to index
        %get3A_265 = arith.constant 0 : index
        %get3A_266 = tpu.vector_load %arg7[%get3A_263, %get3A_264, %get3A_265] {strides = array<i32>} : memref<2x200x64xi32, #tpu.memory_space<vmem>>, vector<1x1x16xi32>,
        %get3A_267 = vector.shape_cast %get3A_266 : vector<1x1x16xi32> to vector<16xi32>
        %shift_left3A_268 = arith.shli %get3A_267, %broadcast_in_dim3A_261 : vector<16xi32>
        %and3A_269 = vector.broadcast %scan3A_30 : i32 to vector<16xi32>
        %and3A_270 = arith.andi %shift_left3A_268, %and3A_269 : vector<16xi32>
        %bitcast_convert_type3A_271 = tpu.bitcast %and3A_270 : vector<16xi32> -> vector<16xf32>
        %add3A_272 = arith.addf %add3A_221, %bitcast_convert_type3A_271 : vector<16xf32>
        %get3A_273 = arith.constant 0 : i32
        %get3A_274 = arith.index_cast %get3A_273 : i32 to index
        %get3A_275 = arith.index_cast %add3A_258 : i32 to index
        %get3A_276 = arith.constant 16 : index
        %get3A_277 = tpu.vector_load %arg7[%get3A_274, %get3A_275, %get3A_276] {strides = array<i32>} : memref<2x200x64xi32, #tpu.memory_space<vmem>>, vector<1x1x16xi32>,
        %get3A_278 = vector.shape_cast %get3A_277 : vector<1x1x16xi32> to vector<16xi32>
        %shift_left3A_279 = arith.shli %get3A_278, %broadcast_in_dim3A_261 : vector<16xi32>
        %and3A_280 = vector.broadcast %scan3A_30 : i32 to vector<16xi32>
        %and3A_281 = arith.andi %shift_left3A_279, %and3A_280 : vector<16xi32>
        %bitcast_convert_type3A_282 = tpu.bitcast %and3A_281 : vector<16xi32> -> vector<16xf32>
        %add3A_283 = arith.addf %add3A_232, %bitcast_convert_type3A_282 : vector<16xf32>
        %get3A_284 = arith.constant 0 : i32
        %get3A_285 = arith.index_cast %get3A_284 : i32 to index
        %get3A_286 = arith.index_cast %add3A_258 : i32 to index
        %get3A_287 = arith.constant 32 : index
        %get3A_288 = tpu.vector_load %arg7[%get3A_285, %get3A_286, %get3A_287] {strides = array<i32>} : memref<2x200x64xi32, #tpu.memory_space<vmem>>, vector<1x1x16xi32>,
        %get3A_289 = vector.shape_cast %get3A_288 : vector<1x1x16xi32> to vector<16xi32>
        %shift_left3A_290 = arith.shli %get3A_289, %broadcast_in_dim3A_261 : vector<16xi32>
        %and3A_291 = vector.broadcast %scan3A_30 : i32 to vector<16xi32>
        %and3A_292 = arith.andi %shift_left3A_290, %and3A_291 : vector<16xi32>
        %bitcast_convert_type3A_293 = tpu.bitcast %and3A_292 : vector<16xi32> -> vector<16xf32>
        %add3A_294 = arith.addf %add3A_243, %bitcast_convert_type3A_293 : vector<16xf32>
        %get3A_295 = arith.constant 0 : i32
        %get3A_296 = arith.index_cast %get3A_295 : i32 to index
        %get3A_297 = arith.index_cast %add3A_258 : i32 to index
        %get3A_298 = arith.constant 48 : index
        %get3A_299 = tpu.vector_load %arg7[%get3A_296, %get3A_297, %get3A_298] {strides = array<i32>} : memref<2x200x64xi32, #tpu.memory_space<vmem>>, vector<1x1x16xi32>,
        %get3A_300 = vector.shape_cast %get3A_299 : vector<1x1x16xi32> to vector<16xi32>
        %shift_left3A_301 = arith.shli %get3A_300, %broadcast_in_dim3A_261 : vector<16xi32>
        %and3A_302 = vector.broadcast %scan3A_30 : i32 to vector<16xi32>
        %and3A_303 = arith.andi %shift_left3A_301, %and3A_302 : vector<16xi32>
        %bitcast_convert_type3A_304 = tpu.bitcast %and3A_303 : vector<16xi32> -> vector<16xf32>
        %add3A_305 = arith.addf %add3A_254, %bitcast_convert_type3A_304 : vector<16xf32>
        %mul3A_306 = arith.constant 8 : i32
        %mul3A_307 = arith.muli %scan3A_146, %mul3A_306 : i32
        %add3A_308 = arith.constant 3 : i32
        %add3A_309 = arith.addi %mul3A_307, %add3A_308 : i32
        %slice3A_310 = vector.extract_strided_slice %get3A_157 {offsets = [3], sizes = [1], strides = [1]} : vector<16xi32> to vector<1xi32>
        %squeeze3A_311 = vector.extract %slice3A_310[0] : i32 from vector<1xi32>
        %broadcast_in_dim3A_312 = vector.broadcast %squeeze3A_311 : i32 to vector<16xi32>
        %get3A_313 = arith.constant 0 : i32
        %get3A_314 = arith.index_cast %get3A_313 : i32 to index
        %get3A_315 = arith.index_cast %add3A_309 : i32 to index
        %get3A_316 = arith.constant 0 : index
        %get3A_317 = tpu.vector_load %arg7[%get3A_314, %get3A_315, %get3A_316] {strides = array<i32>} : memref<2x200x64xi32, #tpu.memory_space<vmem>>, vector<1x1x16xi32>,
        %get3A_318 = vector.shape_cast %get3A_317 : vector<1x1x16xi32> to vector<16xi32>
        %shift_left3A_319 = arith.shli %get3A_318, %broadcast_in_dim3A_312 : vector<16xi32>
        %and3A_320 = vector.broadcast %scan3A_30 : i32 to vector<16xi32>
        %and3A_321 = arith.andi %shift_left3A_319, %and3A_320 : vector<16xi32>
        %bitcast_convert_type3A_322 = tpu.bitcast %and3A_321 : vector<16xi32> -> vector<16xf32>
        %add3A_323 = arith.addf %add3A_272, %bitcast_convert_type3A_322 : vector<16xf32>
        %get3A_324 = arith.constant 0 : i32
        %get3A_325 = arith.index_cast %get3A_324 : i32 to index
        %get3A_326 = arith.index_cast %add3A_309 : i32 to index
        %get3A_327 = arith.constant 16 : index
        %get3A_328 = tpu.vector_load %arg7[%get3A_325, %get3A_326, %get3A_327] {strides = array<i32>} : memref<2x200x64xi32, #tpu.memory_space<vmem>>, vector<1x1x16xi32>,
        %get3A_329 = vector.shape_cast %get3A_328 : vector<1x1x16xi32> to vector<16xi32>
        %shift_left3A_330 = arith.shli %get3A_329, %broadcast_in_dim3A_312 : vector<16xi32>
        %and3A_331 = vector.broadcast %scan3A_30 : i32 to vector<16xi32>
        %and3A_332 = arith.andi %shift_left3A_330, %and3A_331 : vector<16xi32>
        %bitcast_convert_type3A_333 = tpu.bitcast %and3A_332 : vector<16xi32> -> vector<16xf32>
        %add3A_334 = arith.addf %add3A_283, %bitcast_convert_type3A_333 : vector<16xf32>
        %get3A_335 = arith.constant 0 : i32
        %get3A_336 = arith.index_cast %get3A_335 : i32 to index
        %get3A_337 = arith.index_cast %add3A_309 : i32 to index
        %get3A_338 = arith.constant 32 : index
        %get3A_339 = tpu.vector_load %arg7[%get3A_336, %get3A_337, %get3A_338] {strides = array<i32>} : memref<2x200x64xi32, #tpu.memory_space<vmem>>, vector<1x1x16xi32>,
        %get3A_340 = vector.shape_cast %get3A_339 : vector<1x1x16xi32> to vector<16xi32>
        %shift_left3A_341 = arith.shli %get3A_340, %broadcast_in_dim3A_312 : vector<16xi32>
        %and3A_342 = vector.broadcast %scan3A_30 : i32 to vector<16xi32>
        %and3A_343 = arith.andi %shift_left3A_341, %and3A_342 : vector<16xi32>
        %bitcast_convert_type3A_344 = tpu.bitcast %and3A_343 : vector<16xi32> -> vector<16xf32>
        %add3A_345 = arith.addf %add3A_294, %bitcast_convert_type3A_344 : vector<16xf32>
        %get3A_346 = arith.constant 0 : i32
        %get3A_347 = arith.index_cast %get3A_346 : i32 to index
        %get3A_348 = arith.index_cast %add3A_309 : i32 to index
        %get3A_349 = arith.constant 48 : index
        %get3A_350 = tpu.vector_load %arg7[%get3A_347, %get3A_348, %get3A_349] {strides = array<i32>} : memref<2x200x64xi32, #tpu.memory_space<vmem>>, vector<1x1x16xi32>,
        %get3A_351 = vector.shape_cast %get3A_350 : vector<1x1x16xi32> to vector<16xi32>
        %shift_left3A_352 = arith.shli %get3A_351, %broadcast_in_dim3A_312 : vector<16xi32>
        %and3A_353 = vector.broadcast %scan3A_30 : i32 to vector<16xi32>
        %and3A_354 = arith.andi %shift_left3A_352, %and3A_353 : vector<16xi32>
        %bitcast_convert_type3A_355 = tpu.bitcast %and3A_354 : vector<16xi32> -> vector<16xf32>
        %add3A_356 = arith.addf %add3A_305, %bitcast_convert_type3A_355 : vector<16xf32>
        %mul3A_357 = arith.constant 8 : i32
        %mul3A_358 = arith.muli %scan3A_146, %mul3A_357 : i32
        %add3A_359 = arith.constant 4 : i32
        %add3A_360 = arith.addi %mul3A_358, %add3A_359 : i32
        %slice3A_361 = vector.extract_strided_slice %get3A_157 {offsets = [4], sizes = [1], strides = [1]} : vector<16xi32> to vector<1xi32>
        %squeeze3A_362 = vector.extract %slice3A_361[0] : i32 from vector<1xi32>
        %broadcast_in_dim3A_363 = vector.broadcast %squeeze3A_362 : i32 to vector<16xi32>
        %get3A_364 = arith.constant 0 : i32
        %get3A_365 = arith.index_cast %get3A_364 : i32 to index
        %get3A_366 = arith.index_cast %add3A_360 : i32 to index
        %get3A_367 = arith.constant 0 : index
        %get3A_368 = tpu.vector_load %arg7[%get3A_365, %get3A_366, %get3A_367] {strides = array<i32>} : memref<2x200x64xi32, #tpu.memory_space<vmem>>, vector<1x1x16xi32>,
        %get3A_369 = vector.shape_cast %get3A_368 : vector<1x1x16xi32> to vector<16xi32>
        %shift_left3A_370 = arith.shli %get3A_369, %broadcast_in_dim3A_363 : vector<16xi32>
        %and3A_371 = vector.broadcast %scan3A_30 : i32 to vector<16xi32>
        %and3A_372 = arith.andi %shift_left3A_370, %and3A_371 : vector<16xi32>
        %bitcast_convert_type3A_373 = tpu.bitcast %and3A_372 : vector<16xi32> -> vector<16xf32>
        %add3A_374 = arith.addf %add3A_323, %bitcast_convert_type3A_373 : vector<16xf32>
        %get3A_375 = arith.constant 0 : i32
        %get3A_376 = arith.index_cast %get3A_375 : i32 to index
        %get3A_377 = arith.index_cast %add3A_360 : i32 to index
        %get3A_378 = arith.constant 16 : index
        %get3A_379 = tpu.vector_load %arg7[%get3A_376, %get3A_377, %get3A_378] {strides = array<i32>} : memref<2x200x64xi32, #tpu.memory_space<vmem>>, vector<1x1x16xi32>,
        %get3A_380 = vector.shape_cast %get3A_379 : vector<1x1x16xi32> to vector<16xi32>
        %shift_left3A_381 = arith.shli %get3A_380, %broadcast_in_dim3A_363 : vector<16xi32>
        %and3A_382 = vector.broadcast %scan3A_30 : i32 to vector<16xi32>
        %and3A_383 = arith.andi %shift_left3A_381, %and3A_382 : vector<16xi32>
        %bitcast_convert_type3A_384 = tpu.bitcast %and3A_383 : vector<16xi32> -> vector<16xf32>
        %add3A_385 = arith.addf %add3A_334, %bitcast_convert_type3A_384 : vector<16xf32>
        %get3A_386 = arith.constant 0 : i32
        %get3A_387 = arith.index_cast %get3A_386 : i32 to index
        %get3A_388 = arith.index_cast %add3A_360 : i32 to index
        %get3A_389 = arith.constant 32 : index
        %get3A_390 = tpu.vector_load %arg7[%get3A_387, %get3A_388, %get3A_389] {strides = array<i32>} : memref<2x200x64xi32, #tpu.memory_space<vmem>>, vector<1x1x16xi32>,
        %get3A_391 = vector.shape_cast %get3A_390 : vector<1x1x16xi32> to vector<16xi32>
        %shift_left3A_392 = arith.shli %get3A_391, %broadcast_in_dim3A_363 : vector<16xi32>
        %and3A_393 = vector.broadcast %scan3A_30 : i32 to vector<16xi32>
        %and3A_394 = arith.andi %shift_left3A_392, %and3A_393 : vector<16xi32>
        %bitcast_convert_type3A_395 = tpu.bitcast %and3A_394 : vector<16xi32> -> vector<16xf32>
        %add3A_396 = arith.addf %add3A_345, %bitcast_convert_type3A_395 : vector<16xf32>
        %get3A_397 = arith.constant 0 : i32
        %get3A_398 = arith.index_cast %get3A_397 : i32 to index
        %get3A_399 = arith.index_cast %add3A_360 : i32 to index
        %get3A_400 = arith.constant 48 : index
        %get3A_401 = tpu.vector_load %arg7[%get3A_398, %get3A_399, %get3A_400] {strides = array<i32>} : memref<2x200x64xi32, #tpu.memory_space<vmem>>, vector<1x1x16xi32>,
        %get3A_402 = vector.shape_cast %get3A_401 : vector<1x1x16xi32> to vector<16xi32>
        %shift_left3A_403 = arith.shli %get3A_402, %broadcast_in_dim3A_363 : vector<16xi32>
        %and3A_404 = vector.broadcast %scan3A_30 : i32 to vector<16xi32>
        %and3A_405 = arith.andi %shift_left3A_403, %and3A_404 : vector<16xi32>
        %bitcast_convert_type3A_406 = tpu.bitcast %and3A_405 : vector<16xi32> -> vector<16xf32>
        %add3A_407 = arith.addf %add3A_356, %bitcast_convert_type3A_406 : vector<16xf32>
        %mul3A_408 = arith.constant 8 : i32
        %mul3A_409 = arith.muli %scan3A_146, %mul3A_408 : i32
        %add3A_410 = arith.constant 5 : i32
        %add3A_411 = arith.addi %mul3A_409, %add3A_410 : i32
        %slice3A_412 = vector.extract_strided_slice %get3A_157 {offsets = [5], sizes = [1], strides = [1]} : vector<16xi32> to vector<1xi32>
        %squeeze3A_413 = vector.extract %slice3A_412[0] : i32 from vector<1xi32>
        %broadcast_in_dim3A_414 = vector.broadcast %squeeze3A_413 : i32 to vector<16xi32>
        %get3A_415 = arith.constant 0 : i32
        %get3A_416 = arith.index_cast %get3A_415 : i32 to index
        %get3A_417 = arith.index_cast %add3A_411 : i32 to index
        %get3A_418 = arith.constant 0 : index
        %get3A_419 = tpu.vector_load %arg7[%get3A_416, %get3A_417, %get3A_418] {strides = array<i32>} : memref<2x200x64xi32, #tpu.memory_space<vmem>>, vector<1x1x16xi32>,
        %get3A_420 = vector.shape_cast %get3A_419 : vector<1x1x16xi32> to vector<16xi32>
        %shift_left3A_421 = arith.shli %get3A_420, %broadcast_in_dim3A_414 : vector<16xi32>
        %and3A_422 = vector.broadcast %scan3A_30 : i32 to vector<16xi32>
        %and3A_423 = arith.andi %shift_left3A_421, %and3A_422 : vector<16xi32>
        %bitcast_convert_type3A_424 = tpu.bitcast %and3A_423 : vector<16xi32> -> vector<16xf32>
        %add3A_425 = arith.addf %add3A_374, %bitcast_convert_type3A_424 : vector<16xf32>
        %get3A_426 = arith.constant 0 : i32
        %get3A_427 = arith.index_cast %get3A_426 : i32 to index
        %get3A_428 = arith.index_cast %add3A_411 : i32 to index
        %get3A_429 = arith.constant 16 : index
        %get3A_430 = tpu.vector_load %arg7[%get3A_427, %get3A_428, %get3A_429] {strides = array<i32>} : memref<2x200x64xi32, #tpu.memory_space<vmem>>, vector<1x1x16xi32>,
        %get3A_431 = vector.shape_cast %get3A_430 : vector<1x1x16xi32> to vector<16xi32>
        %shift_left3A_432 = arith.shli %get3A_431, %broadcast_in_dim3A_414 : vector<16xi32>
        %and3A_433 = vector.broadcast %scan3A_30 : i32 to vector<16xi32>
        %and3A_434 = arith.andi %shift_left3A_432, %and3A_433 : vector<16xi32>
        %bitcast_convert_type3A_435 = tpu.bitcast %and3A_434 : vector<16xi32> -> vector<16xf32>
        %add3A_436 = arith.addf %add3A_385, %bitcast_convert_type3A_435 : vector<16xf32>
        %get3A_437 = arith.constant 0 : i32
        %get3A_438 = arith.index_cast %get3A_437 : i32 to index
        %get3A_439 = arith.index_cast %add3A_411 : i32 to index
        %get3A_440 = arith.constant 32 : index
        %get3A_441 = tpu.vector_load %arg7[%get3A_438, %get3A_439, %get3A_440] {strides = array<i32>} : memref<2x200x64xi32, #tpu.memory_space<vmem>>, vector<1x1x16xi32>,
        %get3A_442 = vector.shape_cast %get3A_441 : vector<1x1x16xi32> to vector<16xi32>
        %shift_left3A_443 = arith.shli %get3A_442, %broadcast_in_dim3A_414 : vector<16xi32>
        %and3A_444 = vector.broadcast %scan3A_30 : i32 to vector<16xi32>
        %and3A_445 = arith.andi %shift_left3A_443, %and3A_444 : vector<16xi32>
        %bitcast_convert_type3A_446 = tpu.bitcast %and3A_445 : vector<16xi32> -> vector<16xf32>
        %add3A_447 = arith.addf %add3A_396, %bitcast_convert_type3A_446 : vector<16xf32>
        %get3A_448 = arith.constant 0 : i32
        %get3A_449 = arith.index_cast %get3A_448 : i32 to index
        %get3A_450 = arith.index_cast %add3A_411 : i32 to index
        %get3A_451 = arith.constant 48 : index
        %get3A_452 = tpu.vector_load %arg7[%get3A_449, %get3A_450, %get3A_451] {strides = array<i32>} : memref<2x200x64xi32, #tpu.memory_space<vmem>>, vector<1x1x16xi32>,
        %get3A_453 = vector.shape_cast %get3A_452 : vector<1x1x16xi32> to vector<16xi32>
        %shift_left3A_454 = arith.shli %get3A_453, %broadcast_in_dim3A_414 : vector<16xi32>
        %and3A_455 = vector.broadcast %scan3A_30 : i32 to vector<16xi32>
        %and3A_456 = arith.andi %shift_left3A_454, %and3A_455 : vector<16xi32>
        %bitcast_convert_type3A_457 = tpu.bitcast %and3A_456 : vector<16xi32> -> vector<16xf32>
        %add3A_458 = arith.addf %add3A_407, %bitcast_convert_type3A_457 : vector<16xf32>
        %mul3A_459 = arith.constant 8 : i32
        %mul3A_460 = arith.muli %scan3A_146, %mul3A_459 : i32
        %add3A_461 = arith.constant 6 : i32
        %add3A_462 = arith.addi %mul3A_460, %add3A_461 : i32
        %slice3A_463 = vector.extract_strided_slice %get3A_157 {offsets = [6], sizes = [1], strides = [1]} : vector<16xi32> to vector<1xi32>
        %squeeze3A_464 = vector.extract %slice3A_463[0] : i32 from vector<1xi32>
        %broadcast_in_dim3A_465 = vector.broadcast %squeeze3A_464 : i32 to vector<16xi32>
        %get3A_466 = arith.constant 0 : i32
        %get3A_467 = arith.index_cast %get3A_466 : i32 to index
        %get3A_468 = arith.index_cast %add3A_462 : i32 to index
        %get3A_469 = arith.constant 0 : index
        %get3A_470 = tpu.vector_load %arg7[%get3A_467, %get3A_468, %get3A_469] {strides = array<i32>} : memref<2x200x64xi32, #tpu.memory_space<vmem>>, vector<1x1x16xi32>,
        %get3A_471 = vector.shape_cast %get3A_470 : vector<1x1x16xi32> to vector<16xi32>
        %shift_left3A_472 = arith.shli %get3A_471, %broadcast_in_dim3A_465 : vector<16xi32>
        %and3A_473 = vector.broadcast %scan3A_30 : i32 to vector<16xi32>
        %and3A_474 = arith.andi %shift_left3A_472, %and3A_473 : vector<16xi32>
        %bitcast_convert_type3A_475 = tpu.bitcast %and3A_474 : vector<16xi32> -> vector<16xf32>
        %add3A_476 = arith.addf %add3A_425, %bitcast_convert_type3A_475 : vector<16xf32>
        %get3A_477 = arith.constant 0 : i32
        %get3A_478 = arith.index_cast %get3A_477 : i32 to index
        %get3A_479 = arith.index_cast %add3A_462 : i32 to index
        %get3A_480 = arith.constant 16 : index
        %get3A_481 = tpu.vector_load %arg7[%get3A_478, %get3A_479, %get3A_480] {strides = array<i32>} : memref<2x200x64xi32, #tpu.memory_space<vmem>>, vector<1x1x16xi32>,
        %get3A_482 = vector.shape_cast %get3A_481 : vector<1x1x16xi32> to vector<16xi32>
        %shift_left3A_483 = arith.shli %get3A_482, %broadcast_in_dim3A_465 : vector<16xi32>
        %and3A_484 = vector.broadcast %scan3A_30 : i32 to vector<16xi32>
        %and3A_485 = arith.andi %shift_left3A_483, %and3A_484 : vector<16xi32>
        %bitcast_convert_type3A_486 = tpu.bitcast %and3A_485 : vector<16xi32> -> vector<16xf32>
        %add3A_487 = arith.addf %add3A_436, %bitcast_convert_type3A_486 : vector<16xf32>
        %get3A_488 = arith.constant 0 : i32
        %get3A_489 = arith.index_cast %get3A_488 : i32 to index
        %get3A_490 = arith.index_cast %add3A_462 : i32 to index
        %get3A_491 = arith.constant 32 : index
        %get3A_492 = tpu.vector_load %arg7[%get3A_489, %get3A_490, %get3A_491] {strides = array<i32>} : memref<2x200x64xi32, #tpu.memory_space<vmem>>, vector<1x1x16xi32>,
        %get3A_493 = vector.shape_cast %get3A_492 : vector<1x1x16xi32> to vector<16xi32>
        %shift_left3A_494 = arith.shli %get3A_493, %broadcast_in_dim3A_465 : vector<16xi32>
        %and3A_495 = vector.broadcast %scan3A_30 : i32 to vector<16xi32>
        %and3A_496 = arith.andi %shift_left3A_494, %and3A_495 : vector<16xi32>
        %bitcast_convert_type3A_497 = tpu.bitcast %and3A_496 : vector<16xi32> -> vector<16xf32>
        %add3A_498 = arith.addf %add3A_447, %bitcast_convert_type3A_497 : vector<16xf32>
        %get3A_499 = arith.constant 0 : i32
        %get3A_500 = arith.index_cast %get3A_499 : i32 to index
        %get3A_501 = arith.index_cast %add3A_462 : i32 to index
        %get3A_502 = arith.constant 48 : index
        %get3A_503 = tpu.vector_load %arg7[%get3A_500, %get3A_501, %get3A_502] {strides = array<i32>} : memref<2x200x64xi32, #tpu.memory_space<vmem>>, vector<1x1x16xi32>,
        %get3A_504 = vector.shape_cast %get3A_503 : vector<1x1x16xi32> to vector<16xi32>
        %shift_left3A_505 = arith.shli %get3A_504, %broadcast_in_dim3A_465 : vector<16xi32>
        %and3A_506 = vector.broadcast %scan3A_30 : i32 to vector<16xi32>
        %and3A_507 = arith.andi %shift_left3A_505, %and3A_506 : vector<16xi32>
        %bitcast_convert_type3A_508 = tpu.bitcast %and3A_507 : vector<16xi32> -> vector<16xf32>
        %add3A_509 = arith.addf %add3A_458, %bitcast_convert_type3A_508 : vector<16xf32>
        %mul3A_510 = arith.constant 8 : i32
        %mul3A_511 = arith.muli %scan3A_146, %mul3A_510 : i32
        %add3A_512 = arith.constant 7 : i32
        %add3A_513 = arith.addi %mul3A_511, %add3A_512 : i32
        %slice3A_514 = vector.extract_strided_slice %get3A_157 {offsets = [7], sizes = [1], strides = [1]} : vector<16xi32> to vector<1xi32>
        %squeeze3A_515 = vector.extract %slice3A_514[0] : i32 from vector<1xi32>
        %broadcast_in_dim3A_516 = vector.broadcast %squeeze3A_515 : i32 to vector<16xi32>
        %get3A_517 = arith.constant 0 : i32
        %get3A_518 = arith.index_cast %get3A_517 : i32 to index
        %get3A_519 = arith.index_cast %add3A_513 : i32 to index
        %get3A_520 = arith.constant 0 : index
        %get3A_521 = tpu.vector_load %arg7[%get3A_518, %get3A_519, %get3A_520] {strides = array<i32>} : memref<2x200x64xi32, #tpu.memory_space<vmem>>, vector<1x1x16xi32>,
        %get3A_522 = vector.shape_cast %get3A_521 : vector<1x1x16xi32> to vector<16xi32>
        %shift_left3A_523 = arith.shli %get3A_522, %broadcast_in_dim3A_516 : vector<16xi32>
        %and3A_524 = vector.broadcast %scan3A_30 : i32 to vector<16xi32>
        %and3A_525 = arith.andi %shift_left3A_523, %and3A_524 : vector<16xi32>
        %bitcast_convert_type3A_526 = tpu.bitcast %and3A_525 : vector<16xi32> -> vector<16xf32>
        %add3A_527 = arith.addf %add3A_476, %bitcast_convert_type3A_526 : vector<16xf32>
        %get3A_528 = arith.constant 0 : i32
        %get3A_529 = arith.index_cast %get3A_528 : i32 to index
        %get3A_530 = arith.index_cast %add3A_513 : i32 to index
        %get3A_531 = arith.constant 16 : index
        %get3A_532 = tpu.vector_load %arg7[%get3A_529, %get3A_530, %get3A_531] {strides = array<i32>} : memref<2x200x64xi32, #tpu.memory_space<vmem>>, vector<1x1x16xi32>,
        %get3A_533 = vector.shape_cast %get3A_532 : vector<1x1x16xi32> to vector<16xi32>
        %shift_left3A_534 = arith.shli %get3A_533, %broadcast_in_dim3A_516 : vector<16xi32>
        %and3A_535 = vector.broadcast %scan3A_30 : i32 to vector<16xi32>
        %and3A_536 = arith.andi %shift_left3A_534, %and3A_535 : vector<16xi32>
        %bitcast_convert_type3A_537 = tpu.bitcast %and3A_536 : vector<16xi32> -> vector<16xf32>
        %add3A_538 = arith.addf %add3A_487, %bitcast_convert_type3A_537 : vector<16xf32>
        %get3A_539 = arith.constant 0 : i32
        %get3A_540 = arith.index_cast %get3A_539 : i32 to index
        %get3A_541 = arith.index_cast %add3A_513 : i32 to index
        %get3A_542 = arith.constant 32 : index
        %get3A_543 = tpu.vector_load %arg7[%get3A_540, %get3A_541, %get3A_542] {strides = array<i32>} : memref<2x200x64xi32, #tpu.memory_space<vmem>>, vector<1x1x16xi32>,
        %get3A_544 = vector.shape_cast %get3A_543 : vector<1x1x16xi32> to vector<16xi32>
        %shift_left3A_545 = arith.shli %get3A_544, %broadcast_in_dim3A_516 : vector<16xi32>
        %and3A_546 = vector.broadcast %scan3A_30 : i32 to vector<16xi32>
        %and3A_547 = arith.andi %shift_left3A_545, %and3A_546 : vector<16xi32>
        %bitcast_convert_type3A_548 = tpu.bitcast %and3A_547 : vector<16xi32> -> vector<16xf32>
        %add3A_549 = arith.addf %add3A_498, %bitcast_convert_type3A_548 : vector<16xf32>
        %get3A_550 = arith.constant 0 : i32
        %get3A_551 = arith.index_cast %get3A_550 : i32 to index
        %get3A_552 = arith.index_cast %add3A_513 : i32 to index
        %get3A_553 = arith.constant 48 : index
        %get3A_554 = tpu.vector_load %arg7[%get3A_551, %get3A_552, %get3A_553] {strides = array<i32>} : memref<2x200x64xi32, #tpu.memory_space<vmem>>, vector<1x1x16xi32>,
        %get3A_555 = vector.shape_cast %get3A_554 : vector<1x1x16xi32> to vector<16xi32>
        %shift_left3A_556 = arith.shli %get3A_555, %broadcast_in_dim3A_516 : vector<16xi32>
        %and3A_557 = vector.broadcast %scan3A_30 : i32 to vector<16xi32>
        %and3A_558 = arith.andi %shift_left3A_556, %and3A_557 : vector<16xi32>
        %bitcast_convert_type3A_559 = tpu.bitcast %and3A_558 : vector<16xi32> -> vector<16xf32>
        %add3A_560 = arith.addf %add3A_509, %bitcast_convert_type3A_559 : vector<16xf32>
        scf.yield %add3A_527, %add3A_538, %add3A_549, %add3A_560 : vector<16xf32>, vector<16xf32>, vector<16xf32>, vector<16xf32>
      }
      %scan3A_57 = arith.constant 25 : i32
      %add3A_58 = arith.constant 2 : i32
      %add3A_59 = arith.addi %add3A_41, %add3A_58 : i32
      %lt3A = arith.constant 128 : i32
      %lt3A_60 = arith.cmpi slt, %add3A_59, %lt3A : i32
      %convert_element_type3A = arith.extui %lt3A_60 : i1 to i32
      %cond3A = arith.constant 0 : i32
      %cond3A_61 = arith.cmpi ne, %convert_element_type3A, %cond3A : i32
      scf.if %cond3A_61 {
        %add3A_146 = arith.constant 2 : i32
        %add3A_147 = arith.addi %add3A_41, %add3A_146 : i32
        %mul3A_148 = arith.constant 200 : i32
        %mul3A_149 = arith.muli %add3A_147, %mul3A_148 : i32
        %dma_start3A_150 = arith.constant 0 : i32
        %dma_start3A_151 = arith.constant 0 : i32
        %dma_start3A_152 = arith.constant 0 : i32
        %dma_start3A_153 = tpu.memref_slice %arg7[%dma_start3A_150, %dma_start3A_151, %dma_start3A_152] : memref<2x200x64xi32, #tpu.memory_space<vmem>> -> memref<1x200x64xi32, #tpu.memory_space<vmem>>
        %dma_start3A_154 = tpu.memref_squeeze %dma_start3A_153 : memref<1x200x64xi32, #tpu.memory_space<vmem>> -> memref<200x64xi32, #tpu.memory_space<vmem>>
        %dma_start3A_155 = tpu.memref_slice %arg5[%mul3A_149] : memref<25600xi32, #tpu.memory_space<vmem>> -> memref<200xi32, #tpu.memory_space<vmem>>
        %dma_start3A_156 = arith.constant 0 : i32
        %dma_start3A_157 = arith.constant 0 : i32
        %dma_start3A_158 = tpu.memref_slice %arg3[%dma_start3A_156, %dma_start3A_157] : memref<507904x64xi32, #tpu.memory_space<hbm>> -> memref<507904x64xi32, #tpu.memory_space<hbm>>
        tpu.enqueue_indirect_dma source(%dma_start3A_158 : memref<507904x64xi32, #tpu.memory_space<hbm>>) target(%dma_start3A_154 : memref<200x64xi32, #tpu.memory_space<vmem>>) offsets(%dma_start3A_155 : memref<200xi32, #tpu.memory_space<vmem>>) semaphore(%arg9 : memref<!tpu.dma_semaphore, #tpu.memory_space<semaphore_mem>>)
      } else {
      }
      %mul3A_62 = vector.broadcast %scan3A_31 : f32 to vector<16xf32>
      %mul3A_63 = arith.mulf %scan3A_56#0, %mul3A_62 : vector<16xf32>
      %swap3A = arith.index_cast %add3A_41 : i32 to index
      %swap3A_64 = arith.constant 0 : index
      %swap3A_65 = tpu.vector_load %arg8[%swap3A, %swap3A_64] {strides = array<i32>} : memref<128x64xf32, #tpu.memory_space<vmem>>, vector<1x16xf32>,
      %swap3A_66 = vector.shape_cast %swap3A_65 : vector<1x16xf32> to vector<16xf32>
      %swap3A_67 = vector.shape_cast %mul3A_63 : vector<16xf32> to vector<1x16xf32>
      tpu.vector_store %arg8[%swap3A, %swap3A_64], %swap3A_67 {strides = array<i32>} : memref<128x64xf32, #tpu.memory_space<vmem>>, vector<1x16xf32>,
      %mul3A_68 = vector.broadcast %scan3A_31 : f32 to vector<16xf32>
      %mul3A_69 = arith.mulf %scan3A_56#1, %mul3A_68 : vector<16xf32>
      %swap3A_70 = arith.index_cast %add3A_41 : i32 to index
      %swap3A_71 = arith.constant 16 : index
      %swap3A_72 = tpu.vector_load %arg8[%swap3A_70, %swap3A_71] {strides = array<i32>} : memref<128x64xf32, #tpu.memory_space<vmem>>, vector<1x16xf32>,
      %swap3A_73 = vector.shape_cast %swap3A_72 : vector<1x16xf32> to vector<16xf32>
      %swap3A_74 = vector.shape_cast %mul3A_69 : vector<16xf32> to vector<1x16xf32>
      tpu.vector_store %arg8[%swap3A_70, %swap3A_71], %swap3A_74 {strides = array<i32>} : memref<128x64xf32, #tpu.memory_space<vmem>>, vector<1x16xf32>,
      %mul3A_75 = vector.broadcast %scan3A_31 : f32 to vector<16xf32>
      %mul3A_76 = arith.mulf %scan3A_56#2, %mul3A_75 : vector<16xf32>
      %swap3A_77 = arith.index_cast %add3A_41 : i32 to index
      %swap3A_78 = arith.constant 32 : index
      %swap3A_79 = tpu.vector_load %arg8[%swap3A_77, %swap3A_78] {strides = array<i32>} : memref<128x64xf32, #tpu.memory_space<vmem>>, vector<1x16xf32>,
      %swap3A_80 = vector.shape_cast %swap3A_79 : vector<1x16xf32> to vector<16xf32>
      %swap3A_81 = vector.shape_cast %mul3A_76 : vector<16xf32> to vector<1x16xf32>
      tpu.vector_store %arg8[%swap3A_77, %swap3A_78], %swap3A_81 {strides = array<i32>} : memref<128x64xf32, #tpu.memory_space<vmem>>, vector<1x16xf32>,
      %mul3A_82 = vector.broadcast %scan3A_31 : f32 to vector<16xf32>
      %mul3A_83 = arith.mulf %scan3A_56#3, %mul3A_82 : vector<16xf32>
      %swap3A_84 = arith.index_cast %add3A_41 : i32 to index
      %swap3A_85 = arith.constant 48 : index
      %swap3A_86 = tpu.vector_load %arg8[%swap3A_84, %swap3A_85] {strides = array<i32>} : memref<128x64xf32, #tpu.memory_space<vmem>>, vector<1x16xf32>,
      %swap3A_87 = vector.shape_cast %swap3A_86 : vector<1x16xf32> to vector<16xf32>
      %swap3A_88 = vector.shape_cast %mul3A_83 : vector<16xf32> to vector<1x16xf32>
      tpu.vector_store %arg8[%swap3A_84, %swap3A_85], %swap3A_88 {strides = array<i32>} : memref<128x64xf32, #tpu.memory_space<vmem>>, vector<1x16xf32>,
      %mul3A_89 = arith.constant 2 : i32
      %mul3A_90 = arith.muli %mul3A_89, %scan3A_37 : i32
      %add3A_91 = arith.constant 1 : i32
      %add3A_92 = arith.addi %mul3A_90, %add3A_91 : i32
      %dma_wait3A_93 = arith.constant 1 : i32
      %dma_wait3A_94 = arith.constant 0 : i32
      %dma_wait3A_95 = arith.constant 0 : i32
      %dma_wait3A_96 = tpu.memref_slice %arg7[%dma_wait3A_93, %dma_wait3A_94, %dma_wait3A_95] : memref<2x200x64xi32, #tpu.memory_space<vmem>> -> memref<1x200x64xi32, #tpu.memory_space<vmem>>
      %dma_wait3A_97 = tpu.memref_squeeze %dma_wait3A_96 : memref<1x200x64xi32, #tpu.memory_space<vmem>> -> memref<200x64xi32, #tpu.memory_space<vmem>>
      %dma_wait3A_98 = arith.constant 0 : i32
      %dma_wait3A_99 = tpu.memref_slice %arg5[%dma_wait3A_98] : memref<25600xi32, #tpu.memory_space<vmem>> -> memref<200xi32, #tpu.memory_space<vmem>>
      %dma_wait3A_100 = arith.constant 0 : i32
      %dma_wait3A_101 = arith.constant 0 : i32
      %dma_wait3A_102 = tpu.memref_slice %arg3[%dma_wait3A_100, %dma_wait3A_101] : memref<507904x64xi32, #tpu.memory_space<hbm>> -> memref<507904x64xi32, #tpu.memory_space<hbm>>
      tpu.wait_indirect_dma semaphore(%arg10 : memref<!tpu.dma_semaphore, #tpu.memory_space<semaphore_mem>>) src(%dma_wait3A_102 : memref<507904x64xi32, #tpu.memory_space<hbm>>) dst(%dma_wait3A_97 : memref<200x64xi32, #tpu.memory_space<vmem>>)
      %broadcast_in_dim3A_103 = arith.constant 0.000000e+00 : f32
      %broadcast_in_dim3A_104 = vector.broadcast %broadcast_in_dim3A_103 : f32 to vector<16xf32>
      %scan3A_105 = arith.constant 0 : i32
      %scan3A_106 = arith.constant 25 : i32
      %scan3A_107 = arith.addi %scan3A_105, %scan3A_106 : i32
      %scan3A_108 = arith.constant 1 : i32
      %scan3A_109:4 = scf.for %scan3A_146 = %scan3A_105 to %scan3A_107 step %scan3A_108 iter_args(%scan3A_147 = %broadcast_in_dim3A_104, %scan3A_148 = %broadcast_in_dim3A_104, %scan3A_149 = %broadcast_in_dim3A_104, %scan3A_150 = %broadcast_in_dim3A_104) -> (vector<16xf32>, vector<16xf32>, vector<16xf32>, vector<16xf32>)  : i32 {
        %mul3A_151 = arith.constant 200 : i32
        %mul3A_152 = arith.muli %add3A_92, %mul3A_151 : i32
        %mul3A_153 = arith.constant 8 : i32
        %mul3A_154 = arith.muli %scan3A_146, %mul3A_153 : i32
        %add3A_155 = arith.addi %mul3A_152, %mul3A_154 : i32
        %get3A = arith.index_cast %add3A_155 : i32 to index
        %get3A_156 = tpu.vector_load %arg6[%get3A] {strides = array<i32>} : memref<25616xi32, #tpu.memory_space<vmem>>, vector<16xi32>,
        %get3A_157 = vector.shape_cast %get3A_156 : vector<16xi32> to vector<16xi32>
        %mul3A_158 = arith.constant 8 : i32
        %mul3A_159 = arith.muli %scan3A_146, %mul3A_158 : i32
        %add3A_160 = arith.constant 0 : i32
        %add3A_161 = arith.addi %mul3A_159, %add3A_160 : i32
        %slice3A = vector.extract_strided_slice %get3A_157 {offsets = [0], sizes = [1], strides = [1]} : vector<16xi32> to vector<1xi32>
        %squeeze3A = vector.extract %slice3A[0] : i32 from vector<1xi32>
        %broadcast_in_dim3A_162 = vector.broadcast %squeeze3A : i32 to vector<16xi32>
        %get3A_163 = arith.constant 1 : i32
        %get3A_164 = arith.index_cast %get3A_163 : i32 to index
        %get3A_165 = arith.index_cast %add3A_161 : i32 to index
        %get3A_166 = arith.constant 0 : index
        %get3A_167 = tpu.vector_load %arg7[%get3A_164, %get3A_165, %get3A_166] {strides = array<i32>} : memref<2x200x64xi32, #tpu.memory_space<vmem>>, vector<1x1x16xi32>,
        %get3A_168 = vector.shape_cast %get3A_167 : vector<1x1x16xi32> to vector<16xi32>
        %shift_left3A = arith.shli %get3A_168, %broadcast_in_dim3A_162 : vector<16xi32>
        %and3A = vector.broadcast %scan3A_30 : i32 to vector<16xi32>
        %and3A_169 = arith.andi %shift_left3A, %and3A : vector<16xi32>
        %bitcast_convert_type3A = tpu.bitcast %and3A_169 : vector<16xi32> -> vector<16xf32>
        %add3A_170 = arith.addf %scan3A_147, %bitcast_convert_type3A : vector<16xf32>
        %get3A_171 = arith.constant 1 : i32
        %get3A_172 = arith.index_cast %get3A_171 : i32 to index
        %get3A_173 = arith.index_cast %add3A_161 : i32 to index
        %get3A_174 = arith.constant 16 : index
        %get3A_175 = tpu.vector_load %arg7[%get3A_172, %get3A_173, %get3A_174] {strides = array<i32>} : memref<2x200x64xi32, #tpu.memory_space<vmem>>, vector<1x1x16xi32>,
        %get3A_176 = vector.shape_cast %get3A_175 : vector<1x1x16xi32> to vector<16xi32>
        %shift_left3A_177 = arith.shli %get3A_176, %broadcast_in_dim3A_162 : vector<16xi32>
        %and3A_178 = vector.broadcast %scan3A_30 : i32 to vector<16xi32>
        %and3A_179 = arith.andi %shift_left3A_177, %and3A_178 : vector<16xi32>
        %bitcast_convert_type3A_180 = tpu.bitcast %and3A_179 : vector<16xi32> -> vector<16xf32>
        %add3A_181 = arith.addf %scan3A_148, %bitcast_convert_type3A_180 : vector<16xf32>
        %get3A_182 = arith.constant 1 : i32
        %get3A_183 = arith.index_cast %get3A_182 : i32 to index
        %get3A_184 = arith.index_cast %add3A_161 : i32 to index
        %get3A_185 = arith.constant 32 : index
        %get3A_186 = tpu.vector_load %arg7[%get3A_183, %get3A_184, %get3A_185] {strides = array<i32>} : memref<2x200x64xi32, #tpu.memory_space<vmem>>, vector<1x1x16xi32>,
        %get3A_187 = vector.shape_cast %get3A_186 : vector<1x1x16xi32> to vector<16xi32>
        %shift_left3A_188 = arith.shli %get3A_187, %broadcast_in_dim3A_162 : vector<16xi32>
        %and3A_189 = vector.broadcast %scan3A_30 : i32 to vector<16xi32>
        %and3A_190 = arith.andi %shift_left3A_188, %and3A_189 : vector<16xi32>
        %bitcast_convert_type3A_191 = tpu.bitcast %and3A_190 : vector<16xi32> -> vector<16xf32>
        %add3A_192 = arith.addf %scan3A_149, %bitcast_convert_type3A_191 : vector<16xf32>
        %get3A_193 = arith.constant 1 : i32
        %get3A_194 = arith.index_cast %get3A_193 : i32 to index
        %get3A_195 = arith.index_cast %add3A_161 : i32 to index
        %get3A_196 = arith.constant 48 : index
        %get3A_197 = tpu.vector_load %arg7[%get3A_194, %get3A_195, %get3A_196] {strides = array<i32>} : memref<2x200x64xi32, #tpu.memory_space<vmem>>, vector<1x1x16xi32>,
        %get3A_198 = vector.shape_cast %get3A_197 : vector<1x1x16xi32> to vector<16xi32>
        %shift_left3A_199 = arith.shli %get3A_198, %broadcast_in_dim3A_162 : vector<16xi32>
        %and3A_200 = vector.broadcast %scan3A_30 : i32 to vector<16xi32>
        %and3A_201 = arith.andi %shift_left3A_199, %and3A_200 : vector<16xi32>
        %bitcast_convert_type3A_202 = tpu.bitcast %and3A_201 : vector<16xi32> -> vector<16xf32>
        %add3A_203 = arith.addf %scan3A_150, %bitcast_convert_type3A_202 : vector<16xf32>
        %mul3A_204 = arith.constant 8 : i32
        %mul3A_205 = arith.muli %scan3A_146, %mul3A_204 : i32
        %add3A_206 = arith.constant 1 : i32
        %add3A_207 = arith.addi %mul3A_205, %add3A_206 : i32
        %slice3A_208 = vector.extract_strided_slice %get3A_157 {offsets = [1], sizes = [1], strides = [1]} : vector<16xi32> to vector<1xi32>
        %squeeze3A_209 = vector.extract %slice3A_208[0] : i32 from vector<1xi32>
        %broadcast_in_dim3A_210 = vector.broadcast %squeeze3A_209 : i32 to vector<16xi32>
        %get3A_211 = arith.constant 1 : i32
        %get3A_212 = arith.index_cast %get3A_211 : i32 to index
        %get3A_213 = arith.index_cast %add3A_207 : i32 to index
        %get3A_214 = arith.constant 0 : index
        %get3A_215 = tpu.vector_load %arg7[%get3A_212, %get3A_213, %get3A_214] {strides = array<i32>} : memref<2x200x64xi32, #tpu.memory_space<vmem>>, vector<1x1x16xi32>,
        %get3A_216 = vector.shape_cast %get3A_215 : vector<1x1x16xi32> to vector<16xi32>
        %shift_left3A_217 = arith.shli %get3A_216, %broadcast_in_dim3A_210 : vector<16xi32>
        %and3A_218 = vector.broadcast %scan3A_30 : i32 to vector<16xi32>
        %and3A_219 = arith.andi %shift_left3A_217, %and3A_218 : vector<16xi32>
        %bitcast_convert_type3A_220 = tpu.bitcast %and3A_219 : vector<16xi32> -> vector<16xf32>
        %add3A_221 = arith.addf %add3A_170, %bitcast_convert_type3A_220 : vector<16xf32>
        %get3A_222 = arith.constant 1 : i32
        %get3A_223 = arith.index_cast %get3A_222 : i32 to index
        %get3A_224 = arith.index_cast %add3A_207 : i32 to index
        %get3A_225 = arith.constant 16 : index
        %get3A_226 = tpu.vector_load %arg7[%get3A_223, %get3A_224, %get3A_225] {strides = array<i32>} : memref<2x200x64xi32, #tpu.memory_space<vmem>>, vector<1x1x16xi32>,
        %get3A_227 = vector.shape_cast %get3A_226 : vector<1x1x16xi32> to vector<16xi32>
        %shift_left3A_228 = arith.shli %get3A_227, %broadcast_in_dim3A_210 : vector<16xi32>
        %and3A_229 = vector.broadcast %scan3A_30 : i32 to vector<16xi32>
        %and3A_230 = arith.andi %shift_left3A_228, %and3A_229 : vector<16xi32>
        %bitcast_convert_type3A_231 = tpu.bitcast %and3A_230 : vector<16xi32> -> vector<16xf32>
        %add3A_232 = arith.addf %add3A_181, %bitcast_convert_type3A_231 : vector<16xf32>
        %get3A_233 = arith.constant 1 : i32
        %get3A_234 = arith.index_cast %get3A_233 : i32 to index
        %get3A_235 = arith.index_cast %add3A_207 : i32 to index
        %get3A_236 = arith.constant 32 : index
        %get3A_237 = tpu.vector_load %arg7[%get3A_234, %get3A_235, %get3A_236] {strides = array<i32>} : memref<2x200x64xi32, #tpu.memory_space<vmem>>, vector<1x1x16xi32>,
        %get3A_238 = vector.shape_cast %get3A_237 : vector<1x1x16xi32> to vector<16xi32>
        %shift_left3A_239 = arith.shli %get3A_238, %broadcast_in_dim3A_210 : vector<16xi32>
        %and3A_240 = vector.broadcast %scan3A_30 : i32 to vector<16xi32>
        %and3A_241 = arith.andi %shift_left3A_239, %and3A_240 : vector<16xi32>
        %bitcast_convert_type3A_242 = tpu.bitcast %and3A_241 : vector<16xi32> -> vector<16xf32>
        %add3A_243 = arith.addf %add3A_192, %bitcast_convert_type3A_242 : vector<16xf32>
        %get3A_244 = arith.constant 1 : i32
        %get3A_245 = arith.index_cast %get3A_244 : i32 to index
        %get3A_246 = arith.index_cast %add3A_207 : i32 to index
        %get3A_247 = arith.constant 48 : index
        %get3A_248 = tpu.vector_load %arg7[%get3A_245, %get3A_246, %get3A_247] {strides = array<i32>} : memref<2x200x64xi32, #tpu.memory_space<vmem>>, vector<1x1x16xi32>,
        %get3A_249 = vector.shape_cast %get3A_248 : vector<1x1x16xi32> to vector<16xi32>
        %shift_left3A_250 = arith.shli %get3A_249, %broadcast_in_dim3A_210 : vector<16xi32>
        %and3A_251 = vector.broadcast %scan3A_30 : i32 to vector<16xi32>
        %and3A_252 = arith.andi %shift_left3A_250, %and3A_251 : vector<16xi32>
        %bitcast_convert_type3A_253 = tpu.bitcast %and3A_252 : vector<16xi32> -> vector<16xf32>
        %add3A_254 = arith.addf %add3A_203, %bitcast_convert_type3A_253 : vector<16xf32>
        %mul3A_255 = arith.constant 8 : i32
        %mul3A_256 = arith.muli %scan3A_146, %mul3A_255 : i32
        %add3A_257 = arith.constant 2 : i32
        %add3A_258 = arith.addi %mul3A_256, %add3A_257 : i32
        %slice3A_259 = vector.extract_strided_slice %get3A_157 {offsets = [2], sizes = [1], strides = [1]} : vector<16xi32> to vector<1xi32>
        %squeeze3A_260 = vector.extract %slice3A_259[0] : i32 from vector<1xi32>
        %broadcast_in_dim3A_261 = vector.broadcast %squeeze3A_260 : i32 to vector<16xi32>
        %get3A_262 = arith.constant 1 : i32
        %get3A_263 = arith.index_cast %get3A_262 : i32 to index
        %get3A_264 = arith.index_cast %add3A_258 : i32 to index
        %get3A_265 = arith.constant 0 : index
        %get3A_266 = tpu.vector_load %arg7[%get3A_263, %get3A_264, %get3A_265] {strides = array<i32>} : memref<2x200x64xi32, #tpu.memory_space<vmem>>, vector<1x1x16xi32>,
        %get3A_267 = vector.shape_cast %get3A_266 : vector<1x1x16xi32> to vector<16xi32>
        %shift_left3A_268 = arith.shli %get3A_267, %broadcast_in_dim3A_261 : vector<16xi32>
        %and3A_269 = vector.broadcast %scan3A_30 : i32 to vector<16xi32>
        %and3A_270 = arith.andi %shift_left3A_268, %and3A_269 : vector<16xi32>
        %bitcast_convert_type3A_271 = tpu.bitcast %and3A_270 : vector<16xi32> -> vector<16xf32>
        %add3A_272 = arith.addf %add3A_221, %bitcast_convert_type3A_271 : vector<16xf32>
        %get3A_273 = arith.constant 1 : i32
        %get3A_274 = arith.index_cast %get3A_273 : i32 to index
        %get3A_275 = arith.index_cast %add3A_258 : i32 to index
        %get3A_276 = arith.constant 16 : index
        %get3A_277 = tpu.vector_load %arg7[%get3A_274, %get3A_275, %get3A_276] {strides = array<i32>} : memref<2x200x64xi32, #tpu.memory_space<vmem>>, vector<1x1x16xi32>,
        %get3A_278 = vector.shape_cast %get3A_277 : vector<1x1x16xi32> to vector<16xi32>
        %shift_left3A_279 = arith.shli %get3A_278, %broadcast_in_dim3A_261 : vector<16xi32>
        %and3A_280 = vector.broadcast %scan3A_30 : i32 to vector<16xi32>
        %and3A_281 = arith.andi %shift_left3A_279, %and3A_280 : vector<16xi32>
        %bitcast_convert_type3A_282 = tpu.bitcast %and3A_281 : vector<16xi32> -> vector<16xf32>
        %add3A_283 = arith.addf %add3A_232, %bitcast_convert_type3A_282 : vector<16xf32>
        %get3A_284 = arith.constant 1 : i32
        %get3A_285 = arith.index_cast %get3A_284 : i32 to index
        %get3A_286 = arith.index_cast %add3A_258 : i32 to index
        %get3A_287 = arith.constant 32 : index
        %get3A_288 = tpu.vector_load %arg7[%get3A_285, %get3A_286, %get3A_287] {strides = array<i32>} : memref<2x200x64xi32, #tpu.memory_space<vmem>>, vector<1x1x16xi32>,
        %get3A_289 = vector.shape_cast %get3A_288 : vector<1x1x16xi32> to vector<16xi32>
        %shift_left3A_290 = arith.shli %get3A_289, %broadcast_in_dim3A_261 : vector<16xi32>
        %and3A_291 = vector.broadcast %scan3A_30 : i32 to vector<16xi32>
        %and3A_292 = arith.andi %shift_left3A_290, %and3A_291 : vector<16xi32>
        %bitcast_convert_type3A_293 = tpu.bitcast %and3A_292 : vector<16xi32> -> vector<16xf32>
        %add3A_294 = arith.addf %add3A_243, %bitcast_convert_type3A_293 : vector<16xf32>
        %get3A_295 = arith.constant 1 : i32
        %get3A_296 = arith.index_cast %get3A_295 : i32 to index
        %get3A_297 = arith.index_cast %add3A_258 : i32 to index
        %get3A_298 = arith.constant 48 : index
        %get3A_299 = tpu.vector_load %arg7[%get3A_296, %get3A_297, %get3A_298] {strides = array<i32>} : memref<2x200x64xi32, #tpu.memory_space<vmem>>, vector<1x1x16xi32>,
        %get3A_300 = vector.shape_cast %get3A_299 : vector<1x1x16xi32> to vector<16xi32>
        %shift_left3A_301 = arith.shli %get3A_300, %broadcast_in_dim3A_261 : vector<16xi32>
        %and3A_302 = vector.broadcast %scan3A_30 : i32 to vector<16xi32>
        %and3A_303 = arith.andi %shift_left3A_301, %and3A_302 : vector<16xi32>
        %bitcast_convert_type3A_304 = tpu.bitcast %and3A_303 : vector<16xi32> -> vector<16xf32>
        %add3A_305 = arith.addf %add3A_254, %bitcast_convert_type3A_304 : vector<16xf32>
        %mul3A_306 = arith.constant 8 : i32
        %mul3A_307 = arith.muli %scan3A_146, %mul3A_306 : i32
        %add3A_308 = arith.constant 3 : i32
        %add3A_309 = arith.addi %mul3A_307, %add3A_308 : i32
        %slice3A_310 = vector.extract_strided_slice %get3A_157 {offsets = [3], sizes = [1], strides = [1]} : vector<16xi32> to vector<1xi32>
        %squeeze3A_311 = vector.extract %slice3A_310[0] : i32 from vector<1xi32>
        %broadcast_in_dim3A_312 = vector.broadcast %squeeze3A_311 : i32 to vector<16xi32>
        %get3A_313 = arith.constant 1 : i32
        %get3A_314 = arith.index_cast %get3A_313 : i32 to index
        %get3A_315 = arith.index_cast %add3A_309 : i32 to index
        %get3A_316 = arith.constant 0 : index
        %get3A_317 = tpu.vector_load %arg7[%get3A_314, %get3A_315, %get3A_316] {strides = array<i32>} : memref<2x200x64xi32, #tpu.memory_space<vmem>>, vector<1x1x16xi32>,
        %get3A_318 = vector.shape_cast %get3A_317 : vector<1x1x16xi32> to vector<16xi32>
        %shift_left3A_319 = arith.shli %get3A_318, %broadcast_in_dim3A_312 : vector<16xi32>
        %and3A_320 = vector.broadcast %scan3A_30 : i32 to vector<16xi32>
        %and3A_321 = arith.andi %shift_left3A_319, %and3A_320 : vector<16xi32>
        %bitcast_convert_type3A_322 = tpu.bitcast %and3A_321 : vector<16xi32> -> vector<16xf32>
        %add3A_323 = arith.addf %add3A_272, %bitcast_convert_type3A_322 : vector<16xf32>
        %get3A_324 = arith.constant 1 : i32
        %get3A_325 = arith.index_cast %get3A_324 : i32 to index
        %get3A_326 = arith.index_cast %add3A_309 : i32 to index
        %get3A_327 = arith.constant 16 : index
        %get3A_328 = tpu.vector_load %arg7[%get3A_325, %get3A_326, %get3A_327] {strides = array<i32>} : memref<2x200x64xi32, #tpu.memory_space<vmem>>, vector<1x1x16xi32>,
        %get3A_329 = vector.shape_cast %get3A_328 : vector<1x1x16xi32> to vector<16xi32>
        %shift_left3A_330 = arith.shli %get3A_329, %broadcast_in_dim3A_312 : vector<16xi32>
        %and3A_331 = vector.broadcast %scan3A_30 : i32 to vector<16xi32>
        %and3A_332 = arith.andi %shift_left3A_330, %and3A_331 : vector<16xi32>
        %bitcast_convert_type3A_333 = tpu.bitcast %and3A_332 : vector<16xi32> -> vector<16xf32>
        %add3A_334 = arith.addf %add3A_283, %bitcast_convert_type3A_333 : vector<16xf32>
        %get3A_335 = arith.constant 1 : i32
        %get3A_336 = arith.index_cast %get3A_335 : i32 to index
        %get3A_337 = arith.index_cast %add3A_309 : i32 to index
        %get3A_338 = arith.constant 32 : index
        %get3A_339 = tpu.vector_load %arg7[%get3A_336, %get3A_337, %get3A_338] {strides = array<i32>} : memref<2x200x64xi32, #tpu.memory_space<vmem>>, vector<1x1x16xi32>,
        %get3A_340 = vector.shape_cast %get3A_339 : vector<1x1x16xi32> to vector<16xi32>
        %shift_left3A_341 = arith.shli %get3A_340, %broadcast_in_dim3A_312 : vector<16xi32>
        %and3A_342 = vector.broadcast %scan3A_30 : i32 to vector<16xi32>
        %and3A_343 = arith.andi %shift_left3A_341, %and3A_342 : vector<16xi32>
        %bitcast_convert_type3A_344 = tpu.bitcast %and3A_343 : vector<16xi32> -> vector<16xf32>
        %add3A_345 = arith.addf %add3A_294, %bitcast_convert_type3A_344 : vector<16xf32>
        %get3A_346 = arith.constant 1 : i32
        %get3A_347 = arith.index_cast %get3A_346 : i32 to index
        %get3A_348 = arith.index_cast %add3A_309 : i32 to index
        %get3A_349 = arith.constant 48 : index
        %get3A_350 = tpu.vector_load %arg7[%get3A_347, %get3A_348, %get3A_349] {strides = array<i32>} : memref<2x200x64xi32, #tpu.memory_space<vmem>>, vector<1x1x16xi32>,
        %get3A_351 = vector.shape_cast %get3A_350 : vector<1x1x16xi32> to vector<16xi32>
        %shift_left3A_352 = arith.shli %get3A_351, %broadcast_in_dim3A_312 : vector<16xi32>
        %and3A_353 = vector.broadcast %scan3A_30 : i32 to vector<16xi32>
        %and3A_354 = arith.andi %shift_left3A_352, %and3A_353 : vector<16xi32>
        %bitcast_convert_type3A_355 = tpu.bitcast %and3A_354 : vector<16xi32> -> vector<16xf32>
        %add3A_356 = arith.addf %add3A_305, %bitcast_convert_type3A_355 : vector<16xf32>
        %mul3A_357 = arith.constant 8 : i32
        %mul3A_358 = arith.muli %scan3A_146, %mul3A_357 : i32
        %add3A_359 = arith.constant 4 : i32
        %add3A_360 = arith.addi %mul3A_358, %add3A_359 : i32
        %slice3A_361 = vector.extract_strided_slice %get3A_157 {offsets = [4], sizes = [1], strides = [1]} : vector<16xi32> to vector<1xi32>
        %squeeze3A_362 = vector.extract %slice3A_361[0] : i32 from vector<1xi32>
        %broadcast_in_dim3A_363 = vector.broadcast %squeeze3A_362 : i32 to vector<16xi32>
        %get3A_364 = arith.constant 1 : i32
        %get3A_365 = arith.index_cast %get3A_364 : i32 to index
        %get3A_366 = arith.index_cast %add3A_360 : i32 to index
        %get3A_367 = arith.constant 0 : index
        %get3A_368 = tpu.vector_load %arg7[%get3A_365, %get3A_366, %get3A_367] {strides = array<i32>} : memref<2x200x64xi32, #tpu.memory_space<vmem>>, vector<1x1x16xi32>,
        %get3A_369 = vector.shape_cast %get3A_368 : vector<1x1x16xi32> to vector<16xi32>
        %shift_left3A_370 = arith.shli %get3A_369, %broadcast_in_dim3A_363 : vector<16xi32>
        %and3A_371 = vector.broadcast %scan3A_30 : i32 to vector<16xi32>
        %and3A_372 = arith.andi %shift_left3A_370, %and3A_371 : vector<16xi32>
        %bitcast_convert_type3A_373 = tpu.bitcast %and3A_372 : vector<16xi32> -> vector<16xf32>
        %add3A_374 = arith.addf %add3A_323, %bitcast_convert_type3A_373 : vector<16xf32>
        %get3A_375 = arith.constant 1 : i32
        %get3A_376 = arith.index_cast %get3A_375 : i32 to index
        %get3A_377 = arith.index_cast %add3A_360 : i32 to index
        %get3A_378 = arith.constant 16 : index
        %get3A_379 = tpu.vector_load %arg7[%get3A_376, %get3A_377, %get3A_378] {strides = array<i32>} : memref<2x200x64xi32, #tpu.memory_space<vmem>>, vector<1x1x16xi32>,
        %get3A_380 = vector.shape_cast %get3A_379 : vector<1x1x16xi32> to vector<16xi32>
        %shift_left3A_381 = arith.shli %get3A_380, %broadcast_in_dim3A_363 : vector<16xi32>
        %and3A_382 = vector.broadcast %scan3A_30 : i32 to vector<16xi32>
        %and3A_383 = arith.andi %shift_left3A_381, %and3A_382 : vector<16xi32>
        %bitcast_convert_type3A_384 = tpu.bitcast %and3A_383 : vector<16xi32> -> vector<16xf32>
        %add3A_385 = arith.addf %add3A_334, %bitcast_convert_type3A_384 : vector<16xf32>
        %get3A_386 = arith.constant 1 : i32
        %get3A_387 = arith.index_cast %get3A_386 : i32 to index
        %get3A_388 = arith.index_cast %add3A_360 : i32 to index
        %get3A_389 = arith.constant 32 : index
        %get3A_390 = tpu.vector_load %arg7[%get3A_387, %get3A_388, %get3A_389] {strides = array<i32>} : memref<2x200x64xi32, #tpu.memory_space<vmem>>, vector<1x1x16xi32>,
        %get3A_391 = vector.shape_cast %get3A_390 : vector<1x1x16xi32> to vector<16xi32>
        %shift_left3A_392 = arith.shli %get3A_391, %broadcast_in_dim3A_363 : vector<16xi32>
        %and3A_393 = vector.broadcast %scan3A_30 : i32 to vector<16xi32>
        %and3A_394 = arith.andi %shift_left3A_392, %and3A_393 : vector<16xi32>
        %bitcast_convert_type3A_395 = tpu.bitcast %and3A_394 : vector<16xi32> -> vector<16xf32>
        %add3A_396 = arith.addf %add3A_345, %bitcast_convert_type3A_395 : vector<16xf32>
        %get3A_397 = arith.constant 1 : i32
        %get3A_398 = arith.index_cast %get3A_397 : i32 to index
        %get3A_399 = arith.index_cast %add3A_360 : i32 to index
        %get3A_400 = arith.constant 48 : index
        %get3A_401 = tpu.vector_load %arg7[%get3A_398, %get3A_399, %get3A_400] {strides = array<i32>} : memref<2x200x64xi32, #tpu.memory_space<vmem>>, vector<1x1x16xi32>,
        %get3A_402 = vector.shape_cast %get3A_401 : vector<1x1x16xi32> to vector<16xi32>
        %shift_left3A_403 = arith.shli %get3A_402, %broadcast_in_dim3A_363 : vector<16xi32>
        %and3A_404 = vector.broadcast %scan3A_30 : i32 to vector<16xi32>
        %and3A_405 = arith.andi %shift_left3A_403, %and3A_404 : vector<16xi32>
        %bitcast_convert_type3A_406 = tpu.bitcast %and3A_405 : vector<16xi32> -> vector<16xf32>
        %add3A_407 = arith.addf %add3A_356, %bitcast_convert_type3A_406 : vector<16xf32>
        %mul3A_408 = arith.constant 8 : i32
        %mul3A_409 = arith.muli %scan3A_146, %mul3A_408 : i32
        %add3A_410 = arith.constant 5 : i32
        %add3A_411 = arith.addi %mul3A_409, %add3A_410 : i32
        %slice3A_412 = vector.extract_strided_slice %get3A_157 {offsets = [5], sizes = [1], strides = [1]} : vector<16xi32> to vector<1xi32>
        %squeeze3A_413 = vector.extract %slice3A_412[0] : i32 from vector<1xi32>
        %broadcast_in_dim3A_414 = vector.broadcast %squeeze3A_413 : i32 to vector<16xi32>
        %get3A_415 = arith.constant 1 : i32
        %get3A_416 = arith.index_cast %get3A_415 : i32 to index
        %get3A_417 = arith.index_cast %add3A_411 : i32 to index
        %get3A_418 = arith.constant 0 : index
        %get3A_419 = tpu.vector_load %arg7[%get3A_416, %get3A_417, %get3A_418] {strides = array<i32>} : memref<2x200x64xi32, #tpu.memory_space<vmem>>, vector<1x1x16xi32>,
        %get3A_420 = vector.shape_cast %get3A_419 : vector<1x1x16xi32> to vector<16xi32>
        %shift_left3A_421 = arith.shli %get3A_420, %broadcast_in_dim3A_414 : vector<16xi32>
        %and3A_422 = vector.broadcast %scan3A_30 : i32 to vector<16xi32>
        %and3A_423 = arith.andi %shift_left3A_421, %and3A_422 : vector<16xi32>
        %bitcast_convert_type3A_424 = tpu.bitcast %and3A_423 : vector<16xi32> -> vector<16xf32>
        %add3A_425 = arith.addf %add3A_374, %bitcast_convert_type3A_424 : vector<16xf32>
        %get3A_426 = arith.constant 1 : i32
        %get3A_427 = arith.index_cast %get3A_426 : i32 to index
        %get3A_428 = arith.index_cast %add3A_411 : i32 to index
        %get3A_429 = arith.constant 16 : index
        %get3A_430 = tpu.vector_load %arg7[%get3A_427, %get3A_428, %get3A_429] {strides = array<i32>} : memref<2x200x64xi32, #tpu.memory_space<vmem>>, vector<1x1x16xi32>,
        %get3A_431 = vector.shape_cast %get3A_430 : vector<1x1x16xi32> to vector<16xi32>
        %shift_left3A_432 = arith.shli %get3A_431, %broadcast_in_dim3A_414 : vector<16xi32>
        %and3A_433 = vector.broadcast %scan3A_30 : i32 to vector<16xi32>
        %and3A_434 = arith.andi %shift_left3A_432, %and3A_433 : vector<16xi32>
        %bitcast_convert_type3A_435 = tpu.bitcast %and3A_434 : vector<16xi32> -> vector<16xf32>
        %add3A_436 = arith.addf %add3A_385, %bitcast_convert_type3A_435 : vector<16xf32>
        %get3A_437 = arith.constant 1 : i32
        %get3A_438 = arith.index_cast %get3A_437 : i32 to index
        %get3A_439 = arith.index_cast %add3A_411 : i32 to index
        %get3A_440 = arith.constant 32 : index
        %get3A_441 = tpu.vector_load %arg7[%get3A_438, %get3A_439, %get3A_440] {strides = array<i32>} : memref<2x200x64xi32, #tpu.memory_space<vmem>>, vector<1x1x16xi32>,
        %get3A_442 = vector.shape_cast %get3A_441 : vector<1x1x16xi32> to vector<16xi32>
        %shift_left3A_443 = arith.shli %get3A_442, %broadcast_in_dim3A_414 : vector<16xi32>
        %and3A_444 = vector.broadcast %scan3A_30 : i32 to vector<16xi32>
        %and3A_445 = arith.andi %shift_left3A_443, %and3A_444 : vector<16xi32>
        %bitcast_convert_type3A_446 = tpu.bitcast %and3A_445 : vector<16xi32> -> vector<16xf32>
        %add3A_447 = arith.addf %add3A_396, %bitcast_convert_type3A_446 : vector<16xf32>
        %get3A_448 = arith.constant 1 : i32
        %get3A_449 = arith.index_cast %get3A_448 : i32 to index
        %get3A_450 = arith.index_cast %add3A_411 : i32 to index
        %get3A_451 = arith.constant 48 : index
        %get3A_452 = tpu.vector_load %arg7[%get3A_449, %get3A_450, %get3A_451] {strides = array<i32>} : memref<2x200x64xi32, #tpu.memory_space<vmem>>, vector<1x1x16xi32>,
        %get3A_453 = vector.shape_cast %get3A_452 : vector<1x1x16xi32> to vector<16xi32>
        %shift_left3A_454 = arith.shli %get3A_453, %broadcast_in_dim3A_414 : vector<16xi32>
        %and3A_455 = vector.broadcast %scan3A_30 : i32 to vector<16xi32>
        %and3A_456 = arith.andi %shift_left3A_454, %and3A_455 : vector<16xi32>
        %bitcast_convert_type3A_457 = tpu.bitcast %and3A_456 : vector<16xi32> -> vector<16xf32>
        %add3A_458 = arith.addf %add3A_407, %bitcast_convert_type3A_457 : vector<16xf32>
        %mul3A_459 = arith.constant 8 : i32
        %mul3A_460 = arith.muli %scan3A_146, %mul3A_459 : i32
        %add3A_461 = arith.constant 6 : i32
        %add3A_462 = arith.addi %mul3A_460, %add3A_461 : i32
        %slice3A_463 = vector.extract_strided_slice %get3A_157 {offsets = [6], sizes = [1], strides = [1]} : vector<16xi32> to vector<1xi32>
        %squeeze3A_464 = vector.extract %slice3A_463[0] : i32 from vector<1xi32>
        %broadcast_in_dim3A_465 = vector.broadcast %squeeze3A_464 : i32 to vector<16xi32>
        %get3A_466 = arith.constant 1 : i32
        %get3A_467 = arith.index_cast %get3A_466 : i32 to index
        %get3A_468 = arith.index_cast %add3A_462 : i32 to index
        %get3A_469 = arith.constant 0 : index
        %get3A_470 = tpu.vector_load %arg7[%get3A_467, %get3A_468, %get3A_469] {strides = array<i32>} : memref<2x200x64xi32, #tpu.memory_space<vmem>>, vector<1x1x16xi32>,
        %get3A_471 = vector.shape_cast %get3A_470 : vector<1x1x16xi32> to vector<16xi32>
        %shift_left3A_472 = arith.shli %get3A_471, %broadcast_in_dim3A_465 : vector<16xi32>
        %and3A_473 = vector.broadcast %scan3A_30 : i32 to vector<16xi32>
        %and3A_474 = arith.andi %shift_left3A_472, %and3A_473 : vector<16xi32>
        %bitcast_convert_type3A_475 = tpu.bitcast %and3A_474 : vector<16xi32> -> vector<16xf32>
        %add3A_476 = arith.addf %add3A_425, %bitcast_convert_type3A_475 : vector<16xf32>
        %get3A_477 = arith.constant 1 : i32
        %get3A_478 = arith.index_cast %get3A_477 : i32 to index
        %get3A_479 = arith.index_cast %add3A_462 : i32 to index
        %get3A_480 = arith.constant 16 : index
        %get3A_481 = tpu.vector_load %arg7[%get3A_478, %get3A_479, %get3A_480] {strides = array<i32>} : memref<2x200x64xi32, #tpu.memory_space<vmem>>, vector<1x1x16xi32>,
        %get3A_482 = vector.shape_cast %get3A_481 : vector<1x1x16xi32> to vector<16xi32>
        %shift_left3A_483 = arith.shli %get3A_482, %broadcast_in_dim3A_465 : vector<16xi32>
        %and3A_484 = vector.broadcast %scan3A_30 : i32 to vector<16xi32>
        %and3A_485 = arith.andi %shift_left3A_483, %and3A_484 : vector<16xi32>
        %bitcast_convert_type3A_486 = tpu.bitcast %and3A_485 : vector<16xi32> -> vector<16xf32>
        %add3A_487 = arith.addf %add3A_436, %bitcast_convert_type3A_486 : vector<16xf32>
        %get3A_488 = arith.constant 1 : i32
        %get3A_489 = arith.index_cast %get3A_488 : i32 to index
        %get3A_490 = arith.index_cast %add3A_462 : i32 to index
        %get3A_491 = arith.constant 32 : index
        %get3A_492 = tpu.vector_load %arg7[%get3A_489, %get3A_490, %get3A_491] {strides = array<i32>} : memref<2x200x64xi32, #tpu.memory_space<vmem>>, vector<1x1x16xi32>,
        %get3A_493 = vector.shape_cast %get3A_492 : vector<1x1x16xi32> to vector<16xi32>
        %shift_left3A_494 = arith.shli %get3A_493, %broadcast_in_dim3A_465 : vector<16xi32>
        %and3A_495 = vector.broadcast %scan3A_30 : i32 to vector<16xi32>
        %and3A_496 = arith.andi %shift_left3A_494, %and3A_495 : vector<16xi32>
        %bitcast_convert_type3A_497 = tpu.bitcast %and3A_496 : vector<16xi32> -> vector<16xf32>
        %add3A_498 = arith.addf %add3A_447, %bitcast_convert_type3A_497 : vector<16xf32>
        %get3A_499 = arith.constant 1 : i32
        %get3A_500 = arith.index_cast %get3A_499 : i32 to index
        %get3A_501 = arith.index_cast %add3A_462 : i32 to index
        %get3A_502 = arith.constant 48 : index
        %get3A_503 = tpu.vector_load %arg7[%get3A_500, %get3A_501, %get3A_502] {strides = array<i32>} : memref<2x200x64xi32, #tpu.memory_space<vmem>>, vector<1x1x16xi32>,
        %get3A_504 = vector.shape_cast %get3A_503 : vector<1x1x16xi32> to vector<16xi32>
        %shift_left3A_505 = arith.shli %get3A_504, %broadcast_in_dim3A_465 : vector<16xi32>
        %and3A_506 = vector.broadcast %scan3A_30 : i32 to vector<16xi32>
        %and3A_507 = arith.andi %shift_left3A_505, %and3A_506 : vector<16xi32>
        %bitcast_convert_type3A_508 = tpu.bitcast %and3A_507 : vector<16xi32> -> vector<16xf32>
        %add3A_509 = arith.addf %add3A_458, %bitcast_convert_type3A_508 : vector<16xf32>
        %mul3A_510 = arith.constant 8 : i32
        %mul3A_511 = arith.muli %scan3A_146, %mul3A_510 : i32
        %add3A_512 = arith.constant 7 : i32
        %add3A_513 = arith.addi %mul3A_511, %add3A_512 : i32
        %slice3A_514 = vector.extract_strided_slice %get3A_157 {offsets = [7], sizes = [1], strides = [1]} : vector<16xi32> to vector<1xi32>
        %squeeze3A_515 = vector.extract %slice3A_514[0] : i32 from vector<1xi32>
        %broadcast_in_dim3A_516 = vector.broadcast %squeeze3A_515 : i32 to vector<16xi32>
        %get3A_517 = arith.constant 1 : i32
        %get3A_518 = arith.index_cast %get3A_517 : i32 to index
        %get3A_519 = arith.index_cast %add3A_513 : i32 to index
        %get3A_520 = arith.constant 0 : index
        %get3A_521 = tpu.vector_load %arg7[%get3A_518, %get3A_519, %get3A_520] {strides = array<i32>} : memref<2x200x64xi32, #tpu.memory_space<vmem>>, vector<1x1x16xi32>,
        %get3A_522 = vector.shape_cast %get3A_521 : vector<1x1x16xi32> to vector<16xi32>
        %shift_left3A_523 = arith.shli %get3A_522, %broadcast_in_dim3A_516 : vector<16xi32>
        %and3A_524 = vector.broadcast %scan3A_30 : i32 to vector<16xi32>
        %and3A_525 = arith.andi %shift_left3A_523, %and3A_524 : vector<16xi32>
        %bitcast_convert_type3A_526 = tpu.bitcast %and3A_525 : vector<16xi32> -> vector<16xf32>
        %add3A_527 = arith.addf %add3A_476, %bitcast_convert_type3A_526 : vector<16xf32>
        %get3A_528 = arith.constant 1 : i32
        %get3A_529 = arith.index_cast %get3A_528 : i32 to index
        %get3A_530 = arith.index_cast %add3A_513 : i32 to index
        %get3A_531 = arith.constant 16 : index
        %get3A_532 = tpu.vector_load %arg7[%get3A_529, %get3A_530, %get3A_531] {strides = array<i32>} : memref<2x200x64xi32, #tpu.memory_space<vmem>>, vector<1x1x16xi32>,
        %get3A_533 = vector.shape_cast %get3A_532 : vector<1x1x16xi32> to vector<16xi32>
        %shift_left3A_534 = arith.shli %get3A_533, %broadcast_in_dim3A_516 : vector<16xi32>
        %and3A_535 = vector.broadcast %scan3A_30 : i32 to vector<16xi32>
        %and3A_536 = arith.andi %shift_left3A_534, %and3A_535 : vector<16xi32>
        %bitcast_convert_type3A_537 = tpu.bitcast %and3A_536 : vector<16xi32> -> vector<16xf32>
        %add3A_538 = arith.addf %add3A_487, %bitcast_convert_type3A_537 : vector<16xf32>
        %get3A_539 = arith.constant 1 : i32
        %get3A_540 = arith.index_cast %get3A_539 : i32 to index
        %get3A_541 = arith.index_cast %add3A_513 : i32 to index
        %get3A_542 = arith.constant 32 : index
        %get3A_543 = tpu.vector_load %arg7[%get3A_540, %get3A_541, %get3A_542] {strides = array<i32>} : memref<2x200x64xi32, #tpu.memory_space<vmem>>, vector<1x1x16xi32>,
        %get3A_544 = vector.shape_cast %get3A_543 : vector<1x1x16xi32> to vector<16xi32>
        %shift_left3A_545 = arith.shli %get3A_544, %broadcast_in_dim3A_516 : vector<16xi32>
        %and3A_546 = vector.broadcast %scan3A_30 : i32 to vector<16xi32>
        %and3A_547 = arith.andi %shift_left3A_545, %and3A_546 : vector<16xi32>
        %bitcast_convert_type3A_548 = tpu.bitcast %and3A_547 : vector<16xi32> -> vector<16xf32>
        %add3A_549 = arith.addf %add3A_498, %bitcast_convert_type3A_548 : vector<16xf32>
        %get3A_550 = arith.constant 1 : i32
        %get3A_551 = arith.index_cast %get3A_550 : i32 to index
        %get3A_552 = arith.index_cast %add3A_513 : i32 to index
        %get3A_553 = arith.constant 48 : index
        %get3A_554 = tpu.vector_load %arg7[%get3A_551, %get3A_552, %get3A_553] {strides = array<i32>} : memref<2x200x64xi32, #tpu.memory_space<vmem>>, vector<1x1x16xi32>,
        %get3A_555 = vector.shape_cast %get3A_554 : vector<1x1x16xi32> to vector<16xi32>
        %shift_left3A_556 = arith.shli %get3A_555, %broadcast_in_dim3A_516 : vector<16xi32>
        %and3A_557 = vector.broadcast %scan3A_30 : i32 to vector<16xi32>
        %and3A_558 = arith.andi %shift_left3A_556, %and3A_557 : vector<16xi32>
        %bitcast_convert_type3A_559 = tpu.bitcast %and3A_558 : vector<16xi32> -> vector<16xf32>
        %add3A_560 = arith.addf %add3A_509, %bitcast_convert_type3A_559 : vector<16xf32>
        scf.yield %add3A_527, %add3A_538, %add3A_549, %add3A_560 : vector<16xf32>, vector<16xf32>, vector<16xf32>, vector<16xf32>
      }
      %scan3A_110 = arith.constant 25 : i32
      %add3A_111 = arith.constant 2 : i32
      %add3A_112 = arith.addi %add3A_92, %add3A_111 : i32
      %lt3A_113 = arith.constant 128 : i32
      %lt3A_114 = arith.cmpi slt, %add3A_112, %lt3A_113 : i32
      %convert_element_type3A_115 = arith.extui %lt3A_114 : i1 to i32
      %cond3A_116 = arith.constant 0 : i32
      %cond3A_117 = arith.cmpi ne, %convert_element_type3A_115, %cond3A_116 : i32
      scf.if %cond3A_117 {
        %add3A_146 = arith.constant 2 : i32
        %add3A_147 = arith.addi %add3A_92, %add3A_146 : i32
        %mul3A_148 = arith.constant 200 : i32
        %mul3A_149 = arith.muli %add3A_147, %mul3A_148 : i32
        %dma_start3A_150 = arith.constant 1 : i32
        %dma_start3A_151 = arith.constant 0 : i32
        %dma_start3A_152 = arith.constant 0 : i32
        %dma_start3A_153 = tpu.memref_slice %arg7[%dma_start3A_150, %dma_start3A_151, %dma_start3A_152] : memref<2x200x64xi32, #tpu.memory_space<vmem>> -> memref<1x200x64xi32, #tpu.memory_space<vmem>>
        %dma_start3A_154 = tpu.memref_squeeze %dma_start3A_153 : memref<1x200x64xi32, #tpu.memory_space<vmem>> -> memref<200x64xi32, #tpu.memory_space<vmem>>
        %dma_start3A_155 = tpu.memref_slice %arg5[%mul3A_149] : memref<25600xi32, #tpu.memory_space<vmem>> -> memref<200xi32, #tpu.memory_space<vmem>>
        %dma_start3A_156 = arith.constant 0 : i32
        %dma_start3A_157 = arith.constant 0 : i32
        %dma_start3A_158 = tpu.memref_slice %arg3[%dma_start3A_156, %dma_start3A_157] : memref<507904x64xi32, #tpu.memory_space<hbm>> -> memref<507904x64xi32, #tpu.memory_space<hbm>>
        tpu.enqueue_indirect_dma source(%dma_start3A_158 : memref<507904x64xi32, #tpu.memory_space<hbm>>) target(%dma_start3A_154 : memref<200x64xi32, #tpu.memory_space<vmem>>) offsets(%dma_start3A_155 : memref<200xi32, #tpu.memory_space<vmem>>) semaphore(%arg10 : memref<!tpu.dma_semaphore, #tpu.memory_space<semaphore_mem>>)
      } else {
      }
      %mul3A_118 = vector.broadcast %scan3A_31 : f32 to vector<16xf32>
      %mul3A_119 = arith.mulf %scan3A_109#0, %mul3A_118 : vector<16xf32>
      %swap3A_120 = arith.index_cast %add3A_92 : i32 to index
      %swap3A_121 = arith.constant 0 : index
      %swap3A_122 = tpu.vector_load %arg8[%swap3A_120, %swap3A_121] {strides = array<i32>} : memref<128x64xf32, #tpu.memory_space<vmem>>, vector<1x16xf32>,
      %swap3A_123 = vector.shape_cast %swap3A_122 : vector<1x16xf32> to vector<16xf32>
      %swap3A_124 = vector.shape_cast %mul3A_119 : vector<16xf32> to vector<1x16xf32>
      tpu.vector_store %arg8[%swap3A_120, %swap3A_121], %swap3A_124 {strides = array<i32>} : memref<128x64xf32, #tpu.memory_space<vmem>>, vector<1x16xf32>,
      %mul3A_125 = vector.broadcast %scan3A_31 : f32 to vector<16xf32>
      %mul3A_126 = arith.mulf %scan3A_109#1, %mul3A_125 : vector<16xf32>
      %swap3A_127 = arith.index_cast %add3A_92 : i32 to index
      %swap3A_128 = arith.constant 16 : index
      %swap3A_129 = tpu.vector_load %arg8[%swap3A_127, %swap3A_128] {strides = array<i32>} : memref<128x64xf32, #tpu.memory_space<vmem>>, vector<1x16xf32>,
      %swap3A_130 = vector.shape_cast %swap3A_129 : vector<1x16xf32> to vector<16xf32>
      %swap3A_131 = vector.shape_cast %mul3A_126 : vector<16xf32> to vector<1x16xf32>
      tpu.vector_store %arg8[%swap3A_127, %swap3A_128], %swap3A_131 {strides = array<i32>} : memref<128x64xf32, #tpu.memory_space<vmem>>, vector<1x16xf32>,
      %mul3A_132 = vector.broadcast %scan3A_31 : f32 to vector<16xf32>
      %mul3A_133 = arith.mulf %scan3A_109#2, %mul3A_132 : vector<16xf32>
      %swap3A_134 = arith.index_cast %add3A_92 : i32 to index
      %swap3A_135 = arith.constant 32 : index
      %swap3A_136 = tpu.vector_load %arg8[%swap3A_134, %swap3A_135] {strides = array<i32>} : memref<128x64xf32, #tpu.memory_space<vmem>>, vector<1x16xf32>,
      %swap3A_137 = vector.shape_cast %swap3A_136 : vector<1x16xf32> to vector<16xf32>
      %swap3A_138 = vector.shape_cast %mul3A_133 : vector<16xf32> to vector<1x16xf32>
      tpu.vector_store %arg8[%swap3A_134, %swap3A_135], %swap3A_138 {strides = array<i32>} : memref<128x64xf32, #tpu.memory_space<vmem>>, vector<1x16xf32>,
      %mul3A_139 = vector.broadcast %scan3A_31 : f32 to vector<16xf32>
      %mul3A_140 = arith.mulf %scan3A_109#3, %mul3A_139 : vector<16xf32>
      %swap3A_141 = arith.index_cast %add3A_92 : i32 to index
      %swap3A_142 = arith.constant 48 : index
      %swap3A_143 = tpu.vector_load %arg8[%swap3A_141, %swap3A_142] {strides = array<i32>} : memref<128x64xf32, #tpu.memory_space<vmem>>, vector<1x16xf32>,
      %swap3A_144 = vector.shape_cast %swap3A_143 : vector<1x16xf32> to vector<16xf32>
      %swap3A_145 = vector.shape_cast %mul3A_140 : vector<16xf32> to vector<1x16xf32>
      tpu.vector_store %arg8[%swap3A_141, %swap3A_142], %swap3A_145 {strides = array<i32>} : memref<128x64xf32, #tpu.memory_space<vmem>>, vector<1x16xf32>,
    }
    %scan3A_36 = arith.constant 64 : i32
    "tpu.region"() ({
      %run_scoped3A = tpu.sem_alloc : memref<!tpu.dma_semaphore, #tpu.memory_space<semaphore_mem>>
      %dma_start3A_37 = arith.constant 0 : i32
      %dma_start3A_38 = tpu.memref_slice %arg4[%mul3A_2, %dma_start3A_37] : memref<4096x64xf32, #tpu.memory_space<hbm>> -> memref<128x64xf32, #tpu.memory_space<hbm>>
      %dma_start3A_39 = arith.constant 0 : i32
      %dma_start3A_40 = tpu.memref_slice %arg4[%mul3A_2, %dma_start3A_39] : memref<4096x64xf32, #tpu.memory_space<hbm>> -> memref<128x64xf32, #tpu.memory_space<hbm>>
      tpu.enqueue_dma source(%arg8 : memref<128x64xf32, #tpu.memory_space<vmem>>) target(%dma_start3A_40 : memref<128x64xf32, #tpu.memory_space<hbm>>) target_semaphore(%run_scoped3A : memref<!tpu.dma_semaphore, #tpu.memory_space<semaphore_mem>>)
      %dma_wait3A = arith.constant 0 : i32
      %dma_wait3A_41 = tpu.memref_slice %arg4[%mul3A_2, %dma_wait3A] : memref<4096x64xf32, #tpu.memory_space<hbm>> -> memref<128x64xf32, #tpu.memory_space<hbm>>
      %dma_wait3A_42 = arith.constant 0 : i32
      %dma_wait3A_43 = tpu.memref_slice %arg4[%mul3A_2, %dma_wait3A_42] : memref<4096x64xf32, #tpu.memory_space<hbm>> -> memref<128x64xf32, #tpu.memory_space<hbm>>
      tpu.wait_dma2 semaphore(%run_scoped3A : memref<!tpu.dma_semaphore, #tpu.memory_space<semaphore_mem>>) src(%arg8 : memref<128x64xf32, #tpu.memory_space<vmem>>) dst(%dma_wait3A_43 : memref<128x64xf32, #tpu.memory_space<hbm>>)
      tpu.yield
    }) : () -> ()
    return
  }
}

module attributes {stable_mosaic.version = 14 : i64} {
  func.func @body(%arg0: i32, %arg1: memref<64x32768xf32, #tpu.memory_space<vmem>>, %arg2: memref<8192x128xi32, #tpu.memory_space<vmem>>) attributes {dimension_semantics = [#tpu.dimension_semantics<arbitrary>], iteration_bounds = array<i64: 31>, scalar_prefetch = 0 : i64, scratch_operands = 0 : i64, tpu.core_type = #tpu.core_type<tc>, window_params = [{transform_indices = @transform_0, window_bounds = array<i64: 64, 32768>}, {transform_indices = @transform_1, window_bounds = array<i64: 8192, 128>}]} {
    %get3A = arith.constant 0 : index
    %get3A_0 = arith.constant 0 : index
    %get3A_1 = vector.load %arg1[%get3A, %get3A_0] : memref<64x32768xf32, #tpu.memory_space<vmem>>, vector<64x32768xf32>
    %convert_element_type3A = arith.truncf %get3A_1 : vector<64x32768xf32> to vector<64x32768xbf16>
    %iota3A = tpu.iota {dimensions = array<i32: 0>} : vector<64x64xi32>
    %iota3A_2 = tpu.iota {dimensions = array<i32: 1>} : vector<64x64xi32>
    %add3A = arith.constant 0 : i32
    %add3A_3 = vector.broadcast %add3A : i32 to vector<64x64xi32>
    %add3A_4 = arith.addi %iota3A, %add3A_3 : vector<64x64xi32>
    %eq3A = arith.cmpi eq, %add3A_4, %iota3A_2 : vector<64x64xi32>
    %convert_element_type3A_5 = arith.extui %eq3A : vector<64x64xi1> to vector<64x64xi32>
    %convert_element_type3A_6 = arith.sitofp %convert_element_type3A_5 : vector<64x64xi32> to vector<64x64xf32>
    %convert_element_type3A_7 = arith.truncf %convert_element_type3A_6 : vector<64x64xf32> to vector<64x64xbf16>
    %dot_general3A = arith.constant dense<0.000000e+00> : vector<32768x64xf32>
    %dot_general3A_8 = tpu.matmul %convert_element_type3A, %convert_element_type3A_7, %dot_general3A {dimension_numbers = #tpu.dot_dimension_numbers<[0], [0], [1], [1], [0, 1, 1, 1], [], []>, transpose_lhs_hint = false} : vector<64x32768xbf16>, vector<64x64xbf16>, vector<32768x64xf32> -> vector<32768x64xf32>
    %bitcast_convert_type3A = tpu.bitcast %dot_general3A_8 : vector<32768x64xf32> -> vector<32768x64xi32>
    %slice3A = vector.extract_strided_slice %bitcast_convert_type3A {offsets = [0, 0], sizes = [8192, 64], strides = [1, 1]} : vector<32768x64xi32> to vector<8192x64xi32>
    %slice3A_9 = vector.extract_strided_slice %bitcast_convert_type3A {offsets = [8192, 0], sizes = [8192, 64], strides = [1, 1]} : vector<32768x64xi32> to vector<8192x64xi32>
    %slice3A_10 = vector.extract_strided_slice %bitcast_convert_type3A {offsets = [16384, 0], sizes = [8192, 64], strides = [1, 1]} : vector<32768x64xi32> to vector<8192x64xi32>
    %slice3A_11 = vector.extract_strided_slice %bitcast_convert_type3A {offsets = [24576, 0], sizes = [8192, 64], strides = [1, 1]} : vector<32768x64xi32> to vector<8192x64xi32>
    %shift_right_logical3A = arith.constant 16 : i32
    %shift_right_logical3A_12 = vector.broadcast %shift_right_logical3A : i32 to vector<8192x64xi32>
    %shift_right_logical3A_13 = arith.shrui %slice3A, %shift_right_logical3A_12 : vector<8192x64xi32>
    %and3A = arith.constant -65536 : i32
    %and3A_14 = vector.broadcast %and3A : i32 to vector<8192x64xi32>
    %and3A_15 = arith.andi %slice3A_10, %and3A_14 : vector<8192x64xi32>
    %or3A = arith.ori %shift_right_logical3A_13, %and3A_15 : vector<8192x64xi32>
    %swap3A = arith.constant 0 : index
    %swap3A_16 = arith.constant 0 : index
    %swap3A_17 = vector.load %arg2[%swap3A, %swap3A_16] : memref<8192x128xi32, #tpu.memory_space<vmem>>, vector<8192x64xi32>
    tpu.vector_store %arg2[%swap3A, %swap3A_16], %or3A {strides = array<i32>} : memref<8192x128xi32, #tpu.memory_space<vmem>>, vector<8192x64xi32>,
    %shift_right_logical3A_18 = arith.constant 16 : i32
    %shift_right_logical3A_19 = vector.broadcast %shift_right_logical3A_18 : i32 to vector<8192x64xi32>
    %shift_right_logical3A_20 = arith.shrui %slice3A_9, %shift_right_logical3A_19 : vector<8192x64xi32>
    %and3A_21 = arith.constant -65536 : i32
    %and3A_22 = vector.broadcast %and3A_21 : i32 to vector<8192x64xi32>
    %and3A_23 = arith.andi %slice3A_11, %and3A_22 : vector<8192x64xi32>
    %or3A_24 = arith.ori %shift_right_logical3A_20, %and3A_23 : vector<8192x64xi32>
    %swap3A_25 = arith.constant 0 : index
    %swap3A_26 = arith.constant 64 : index
    %swap3A_27 = vector.load %arg2[%swap3A_25, %swap3A_26] : memref<8192x128xi32, #tpu.memory_space<vmem>>, vector<8192x64xi32>
    tpu.vector_store %arg2[%swap3A_25, %swap3A_26], %or3A_24 {strides = array<i32>} : memref<8192x128xi32, #tpu.memory_space<vmem>>, vector<8192x64xi32>,
    return
  }
  func.func @transform_0(%arg0: i32) -> (i32, i32) {
    %c0_i32 = arith.constant 0 : i32
    %c0_i32_0 = arith.constant 0 : i32
    return %c0_i32, %arg0 : i32, i32
  }
  func.func @transform_1(%arg0: i32) -> (i32, i32) {
    %c0_i32 = arith.constant 0 : i32
    %c0_i32_0 = arith.constant 0 : i32
    return %arg0, %c0_i32 : i32, i32
  }
}

module attributes {stable_mosaic.version = 14 : i64} {
  func.func @body(%arg0: i32, %arg1: memref<512x64xf32, #tpu.memory_space<vmem>>, %arg2: memref<64x256xf32, #tpu.memory_space<vmem>>, %arg3: memref<1x256xf32, #tpu.memory_space<vmem>>, %arg4: memref<256x2xf32, #tpu.memory_space<vmem>>, %arg5: memref<1x2xf32, #tpu.memory_space<vmem>>, %arg6: memref<512x2xf32, #tpu.memory_space<vmem>>) attributes {dimension_semantics = [#tpu.dimension_semantics<arbitrary>], iteration_bounds = array<i64: 8>, scalar_prefetch = 0 : i64, scratch_operands = 0 : i64, tpu.core_type = #tpu.core_type<tc>, window_params = [{transform_indices = @transform_0, window_bounds = array<i64: 512, 64>}, {pipeline_mode = #tpu.pipeline_mode<synchronous>, transform_indices = @transform_1, window_bounds = array<i64: 64, 256>}, {pipeline_mode = #tpu.pipeline_mode<synchronous>, transform_indices = @transform_2, window_bounds = array<i64: 1, 256>}, {pipeline_mode = #tpu.pipeline_mode<synchronous>, transform_indices = @transform_3, window_bounds = array<i64: 256, 2>}, {pipeline_mode = #tpu.pipeline_mode<synchronous>, transform_indices = @transform_4, window_bounds = array<i64: 1, 2>}, {transform_indices = @transform_5, window_bounds = array<i64: 512, 2>}]} {
    %get3A = arith.constant 0 : index
    %get3A_0 = arith.constant 0 : index
    %get3A_1 = vector.load %arg1[%get3A, %get3A_0] : memref<512x64xf32, #tpu.memory_space<vmem>>, vector<512x64xf32>
    %get3A_2 = arith.constant 0 : index
    %get3A_3 = arith.constant 0 : index
    %get3A_4 = vector.load %arg2[%get3A_2, %get3A_3] : memref<64x256xf32, #tpu.memory_space<vmem>>, vector<64x256xf32>
    %dot_general3A = arith.constant dense<0.000000e+00> : vector<512x256xf32>
    %dot_general3A_5 = tpu.matmul %get3A_1, %get3A_4, %dot_general3A {dimension_numbers = #tpu.dot_dimension_numbers<[1], [0], [0], [1], [0, 0, 1, 1], [], []>, transpose_lhs_hint = false} : vector<512x64xf32>, vector<64x256xf32>, vector<512x256xf32> -> vector<512x256xf32>
    %get3A_6 = arith.constant 0 : index
    %get3A_7 = arith.constant 0 : index
    %get3A_8 = vector.load %arg3[%get3A_6, %get3A_7] : memref<1x256xf32, #tpu.memory_space<vmem>>, vector<1x256xf32>
    %add3A = vector.broadcast %get3A_8 : vector<1x256xf32> to vector<512x256xf32>
    %add3A_9 = arith.addf %dot_general3A_5, %add3A : vector<512x256xf32>
    %max3A = arith.constant 0.000000e+00 : f32
    %max3A_10 = vector.broadcast %max3A : f32 to vector<512x256xf32>
    %max3A_11 = arith.maximumf %add3A_9, %max3A_10 : vector<512x256xf32>
    %get3A_12 = arith.constant 0 : index
    %get3A_13 = arith.constant 0 : index
    %get3A_14 = vector.load %arg4[%get3A_12, %get3A_13] : memref<256x2xf32, #tpu.memory_space<vmem>>, vector<256x2xf32>
    %dot_general3A_15 = arith.constant dense<0.000000e+00> : vector<512x2xf32>
    %dot_general3A_16 = tpu.matmul %max3A_11, %get3A_14, %dot_general3A_15 {dimension_numbers = #tpu.dot_dimension_numbers<[1], [0], [0], [1], [0, 0, 1, 1], [], []>, transpose_lhs_hint = false} : vector<512x256xf32>, vector<256x2xf32>, vector<512x2xf32> -> vector<512x2xf32>
    %get3A_17 = arith.constant 0 : index
    %get3A_18 = arith.constant 0 : index
    %get3A_19 = vector.load %arg5[%get3A_17, %get3A_18] : memref<1x2xf32, #tpu.memory_space<vmem>>, vector<1x2xf32>
    %add3A_20 = vector.broadcast %get3A_19 : vector<1x2xf32> to vector<512x2xf32>
    %add3A_21 = arith.addf %dot_general3A_16, %add3A_20 : vector<512x2xf32>
    %swap3A = arith.constant 0 : index
    %swap3A_22 = arith.constant 0 : index
    %swap3A_23 = vector.load %arg6[%swap3A, %swap3A_22] : memref<512x2xf32, #tpu.memory_space<vmem>>, vector<512x2xf32>
    tpu.vector_store %arg6[%swap3A, %swap3A_22], %add3A_21 {strides = array<i32>} : memref<512x2xf32, #tpu.memory_space<vmem>>, vector<512x2xf32>,
    return
  }
  func.func @transform_0(%arg0: i32) -> (i32, i32) {
    %c0_i32 = arith.constant 0 : i32
    %c0_i32_0 = arith.constant 0 : i32
    return %arg0, %c0_i32 : i32, i32
  }
  func.func @transform_1(%arg0: i32) -> (i32, i32) {
    %c0_i32 = arith.constant 0 : i32
    %c0_i32_0 = arith.constant 0 : i32
    %c0_i32_1 = arith.constant 0 : i32
    return %c0_i32, %c0_i32_0 : i32, i32
  }
  func.func @transform_2(%arg0: i32) -> (i32, i32) {
    %c0_i32 = arith.constant 0 : i32
    %c0_i32_0 = arith.constant 0 : i32
    %c0_i32_1 = arith.constant 0 : i32
    return %c0_i32, %c0_i32_0 : i32, i32
  }
  func.func @transform_3(%arg0: i32) -> (i32, i32) {
    %c0_i32 = arith.constant 0 : i32
    %c0_i32_0 = arith.constant 0 : i32
    %c0_i32_1 = arith.constant 0 : i32
    return %c0_i32, %c0_i32_0 : i32, i32
  }
  func.func @transform_4(%arg0: i32) -> (i32, i32) {
    %c0_i32 = arith.constant 0 : i32
    %c0_i32_0 = arith.constant 0 : i32
    %c0_i32_1 = arith.constant 0 : i32
    return %c0_i32, %c0_i32_0 : i32, i32
  }
  func.func @transform_5(%arg0: i32) -> (i32, i32) {
    %c0_i32 = arith.constant 0 : i32
    %c0_i32_0 = arith.constant 0 : i32
    return %arg0, %c0_i32 : i32, i32
  }
}

</mosaic_0001>

<sc_bundles>
// kernel: kernel.5.cloned.1.call-start
scs
__scs_entry_jumppad:
0x0: {  	(pc) =	sbr.rel $0x88, $3  }
0x1: {  	(tag) =	ssettag $0x0;
	lr =	simm.s32 $0x1  }
0x2: {  	[smem:$0x3F9B] =	sst lr;
	_ =	strace $0xD0000000  }
0x3: {  	_ = 	snop  }
0x4: {  	_ = 	snop  }
0x5: {  	_ = 	snop  }
0x6: {  	_ = 	snop  }
0x7: {  	_ = 	snop  }
__scs_overlays_trampoline_lowered:
0x8: {  	[smem:$0x3FAA] =	sst s0  }
0x9: {  	[smem:$0x3FAB] =	sst s1  }
0xa: {  	[smem:$0x3FAC] =	sst s2  }
0xb: {  	[smem:$0x3FAD] =	sst s3  }
0xc: {  	[smem:$0x3FAE] =	sst s4  }
0xd: {  	[smem:$0x3FAF] =	sst s5  }
0xe: {  	[smem:$0x3FB0] =	sst s6  }
0xf: {  	[smem:$0x3FB1] =	sst s7  }
0x10: {  	[smem:$0x3FB2] =	sst s8  }
0x11: {  	[smem:$0x3FB3] =	sst s9;
	s0 =	simm.s32 @!p0 $0x0  }
0x12: {  	s1 =	sld [smem:$0x3F99];
	s0 =	simm.s32 @p0 $0x1  }
0x13: {  	[smem:$0x3FB4] =	sst s0;
	s0 =	simm.s32 @!p1 $0x0  }
0x14: {  	s2 =	sld [smem:$0x3F98];
	s0 =	simm.s32 @p1 $0x1  }
0x15: {  	[smem:$0x3FB5] =	sst s0;
	s0 =	simm.s32 @!p2 $0x0  }
0x16: {  	s3 =	sld [smem:$0x3FDB];
	s0 =	simm.s32 @p2 $0x1  }
0x17: {  	s4 =	simm.s32 $0x1BF5;
	[smem:$0x3FB7] =	sst s0  }
0x18: {  	s0 =	sld [smem:$0x3F9A];
	_ =	swait.ge [sflag:s4], $0x0  }
0x19: {  	s7 =	sld [smem:$0x3F9B]  }
0x1a: {  	s8 =	sadd.s32 $0xFFFFE003, lr  }
0x1b: {  	s9 =	sadd.s32 $0xFFFFFEF7, lr;
	s5 =	simm.s32 $0xFFFFFFFF;
	p2 =	slt.u32 s8, $0xFFFFF086  }
0x1c: {  	p1 =	slt.u32 s9, $0xF7A;
	s5 =	simm.s32 @!p2 $0x0  }
0x1d: {  	s5 =	simm.s32 @p1 $0x1;
	p0 =	seq.s32 s7, s2  }
0x1e: {  	s7 =	smul.u32 @!p0 $0xF7A, s2;
	p2 =	seq.s32 @!p0 s5, $0x0  }
0x1f: {  	s9 =	smul.u32 $0xF7A, s1;
	s8 =	simm.s32 @!p0 $0x1BF5;
	p2 =	por !p2, p0  }
0x20: {  	[sflag:s8] =	ssyncset.s32 @!p0 $0xFFFFF086;
	s6 =	sadd.s32 @!p0 s3, s7;
	s7 =	simm.s32 @!p0 $0x108  }
0x21: {  	s3 =	sadd.s32 s3, s9;
	s6 =	sadd.s32 @!p0 $0x88, s6;
	s7 =	simm.s32 @p2 $0x1082  }
0x22: {  	[simem:s7], [sflag:s8] =	dma.local @!p0 [hbm:s6], $0xF7A  }
0x23: {  	s9 =	sor.u32 $0xD0000000, s2;
	s6 =	simm.s32 $0x108;
	_ =	swait.ge @!p0 [sflag:s8], $0x0  }
0x24: {  	s3 =	sadd.s32 $0x88, s3;
	s6 =	simm.s32 @!p1 $0x1082;
	[sflag:s4] =	ssyncset.s32 $0xFFFFF086  }
0x25: {  	[simem:s6], [sflag:s4] =	dma.local [hbm:s3], $0xF7A  }
0x26: {  	[smem:$0x3F9B] =	sst s1;
	(tag) =	ssettag s2;
	_ =	strace s9  }
0x27: {  	s1 =	sld [smem:$0x3FAB]  }
0x28: {  	s2 =	sld [smem:$0x3FAC]  }
0x29: {  	s4 =	sld [smem:$0x3FAE]  }
0x2a: {  	p0 =	seq.s32 s5, $0x0;
	s5 =	sld [smem:$0x3FAF]  }
0x2b: {  	s6 =	sld [smem:$0x3FB0]  }
0x2c: {  	s7 =	sld [smem:$0x3FB1]  }
0x2d: {  	s3 =	simm.s32 $0x108;
	s8 =	sld [smem:$0x3FB2]  }
0x2e: {  	s3 =	simm.s32 @!p0 $0x1082;
	s9 =	sld [smem:$0x3FB3]  }
0x2f: {  	lr =	sadd.s32 s0, s3;
	s0 =	sld [smem:$0x3FAA]  }
0x30: {  	s3 =	sld [smem:$0x3FAD]  }
0x31: {  	[smem:$0x3FB6] =	sst s10  }
0x32: {  	s10 =	sld [smem:$0x3FB4];
	_ =	sdelay $0x3  }
0x33: {  	p0 =	seq.s32 s10, $0x1;
	s10 =	sld [smem:$0x3FB6];
	_ =	sdelay $0x3  }
0x34: {  	[smem:$0x3FB6] =	sst s10  }
0x35: {  	s10 =	sld [smem:$0x3FB5];
	_ =	sdelay $0x3  }
0x36: {  	p1 =	seq.s32 s10, $0x1;
	s10 =	sld [smem:$0x3FB6];
	_ =	sdelay $0x3  }
0x37: {  	[smem:$0x3FB6] =	sst s10  }
0x38: {  	s10 =	sld [smem:$0x3FB7]  }
0x39: {  	_ = 	snop;
	(pc) =	sbr.ind lr, $3  }
0x3a: {  	_ = 	snop  }
0x3b: {  	_ = 	snop  }
0x3c: {  	p2 =	seq.s32 s10, $0x1;
	s10 =	sld [smem:$0x3FB6]  }
0x3d: {  	_ =	shalt  }
0x3e: {  	_ =	shalt  }
0x3f: {  	_ =	shalt  }
0x40: {  	_ =	shalt  }
0x41: {  	_ =	shalt  }
0x42: {  	_ =	shalt  }
0x43: {  	_ =	shalt  }
0x44: {  	_ =	shalt  }
0x45: {  	_ =	shalt  }
0x46: {  	_ =	shalt  }
0x47: {  	_ =	shalt  }
0x48: {  	_ =	shalt  }
0x49: {  	_ =	shalt  }
0x4a: {  	_ =	shalt  }
0x4b: {  	_ =	shalt  }
0x4c: {  	_ =	shalt  }
0x4d: {  	_ =	shalt  }
0x4e: {  	_ =	shalt  }
0x4f: {  	_ =	shalt  }
0x50: {  	_ =	shalt  }
0x51: {  	_ =	shalt  }
0x52: {  	_ =	shalt  }
0x53: {  	_ =	shalt  }
0x54: {  	_ =	shalt  }
0x55: {  	_ =	shalt  }
0x56: {  	_ =	shalt  }
0x57: {  	_ =	shalt  }
0x58: {  	_ =	shalt  }
0x59: {  	_ =	shalt  }
0x5a: {  	_ =	shalt  }
0x5b: {  	_ =	shalt  }
0x5c: {  	_ =	shalt  }
0x5d: {  	_ =	shalt  }
0x5e: {  	_ =	shalt  }
0x5f: {  	_ =	shalt  }
0x60: {  	_ =	shalt  }
0x61: {  	_ =	shalt  }
0x62: {  	_ =	shalt  }
0x63: {  	_ =	shalt  }
0x64: {  	_ =	shalt  }
0x65: {  	_ =	shalt  }
0x66: {  	_ =	shalt  }
0x67: {  	_ =	shalt  }
0x68: {  	_ =	shalt  }
0x69: {  	_ =	shalt  }
0x6a: {  	_ =	shalt  }
0x6b: {  	_ =	shalt  }
0x6c: {  	_ =	shalt  }
0x6d: {  	_ =	shalt  }
0x6e: {  	_ =	shalt  }
0x6f: {  	_ =	shalt  }
0x70: {  	_ =	shalt  }
0x71: {  	_ =	shalt  }
0x72: {  	_ =	shalt  }
0x73: {  	_ =	shalt  }
0x74: {  	_ =	shalt  }
0x75: {  	_ =	shalt  }
0x76: {  	_ =	shalt  }
0x77: {  	_ =	shalt  }
0x78: {  	_ =	shalt  }
0x79: {  	_ =	shalt  }
0x7a: {  	_ =	shalt  }
0x7b: {  	_ =	shalt  }
0x7c: {  	_ =	shalt  }
0x7d: {  	_ =	shalt  }
0x7e: {  	_ =	shalt  }
0x7f: {  	_ =	shalt  }
0x80: {  	_ =	shalt  }
0x81: {  	_ =	shalt  }
0x82: {  	_ =	shalt  }
0x83: {  	_ =	shalt  }
0x84: {  	_ =	shalt  }
0x85: {  	_ =	shalt  }
0x86: {  	_ =	shalt  }
0x87: {  	_ =	shalt  }
.Lfunc_end0:
.L_simem_size_0:
called_computation_lowered:
.L_overlay_start_0:
0x88: {  	s2 =	sld [smem:$0x3FD9]  }
0x89: {  	s3 =	sld [smem:$0x3FFE];
	_ =	sdelay $0x1  }
0x8a: {  	s1 =	srdreg.scid  }
0x8b: {  	s0 =	sand.u32 $0x1, s1  }
0x8c: {  	s16 =	sshll.u32 s0, $0xA;
	s2 =	sadd.s32 s3, s2  }
0x8d: {  	s2 =	sadd.s32 s2, s16  }
0x8e: {  	[smem:$0x3FC2] =	sst s2  }
0x8f: {  	_ = 	snop  }
0x90: {  	(tm) =	ssettm $0x1  }
0x91: {  	s17 =	sld [smem:$0x3FFB];
	_ =	sdelay $0x3  }
0x92: {  	_ =	strace s17  }
0x93: {  	s2 =	sld [smem:$0x3FFC];
	_ =	sdelay $0x3  }
0x94: {  	_ =	strace s2  }
0x95: {  	s2 =	sld [smem:$0x3FFD];
	_ =	sdelay $0x3  }
0x96: {  	_ =	strace s2  }
0x97: {  	_ =	strace $0x8FFFFFFF  }
0x98: {  	s18 =	sld [smem:$0x3FDB];
	_ =	sdelay $0x1  }
0x99: {  	s19 =	simm.s32 $_scs_section_size  }
0x9a: {  	s4 =	simm.s32 $_size__tile_overlayer_lowered;
	s5 =	simm.s32 $_tile_overlayer_lowered  }
0x9b: {  	s22 =	simm.s32 $0x1BFF;
	s21 =	sshll.u32 s5, $0x1;
	s2 =	sadd.s32 s19, s18  }
0x9c: {  	s6 =	simm.s32 $0x0;
	s20 =	sshll.u32 s4, $0x1;
	s4 =	sadd.s32 s21, s2  }
0x9d: {  	[timem:s6], [sflag:s22] =	dma.local [hbm:s4], s20  }
0x9e: {  	_ =	swait.ge [sflag:s22], s20  }
0x9f: {  	s3 =	ssub.s32 $0x0, s20;
	[sflag:s22] =	ssyncset.done $0x0  }
0xa0: {  	[sflag:s22] =	ssyncadd.s32 s3;
	_ =	sdelay $0x1  }
0xa1: {  	s23 =	simm.s32 $0x1B8B  }
0xa2: {  	_ =	swait.ge [sflag:s23], $0x1  }
0xa3: {  	[sflag:s23] =	ssyncset.done $0x0  }
0xa4: {  	s25 =	simm.s32 $0x1B8E;
	s24 =	sld [smem:$0x3FFE];
	[sflag:s23] =	ssyncadd.s32 $0xFFFFFFFF  }
0xa5: {  	s26 =	simm.s32 $execute0_lowered;
	[smem:$0x3FD2] =	sst s25  }
0xa6: {  	s4 =	sshll.u32 s26, $0x1;
	_ =	strace $0x80000046;
	[dreg:$0x1] =	wrdreg $0xFFFFFFFF  }
0xa7: {  	s28 =	simm.s32 $_size_execute0_lowered;
	s2 =	sadd.s32 s2, s4;
	[dreg:$0x0] =	wrdreg $0x0  }
0xa8: {  	s4 =	sshll.u32 s28, $0x1;
	[dreg:$0x2] =	wrdreg s2  }
0xa9: {  	[dreg:$0x3] =	wrdreg s4  }
0xaa: {  	[dreg:$0x4] =	wrdreg $0xC0  }
0xab: {  	_ =	task [dreg:s6], $0x5FFFF  }
0xac: {  	[dreg:$0x1] =	wrdreg $0xFFFFFFFF  }
0xad: {  	[dreg:$0x0] =	wrdreg $0x60  }
0xae: {  	[dreg:$0x2] =	wrdreg s24  }
0xaf: {  	[dreg:$0x3] =	wrdreg $0x9  }
0xb0: {  	_ =	task.clear_ibuf [dreg:s6], $0x4FFFF;
	_ =	strace $0x90000046  }
0xb1: {  	s29 =	simm.s32 $0x9;
	_ =	strace $0x80000048  }
0xb2: {  	_ =	swait.ge [sflag:s29], $0x1  }
0xb3: {  	[sflag:s29] =	ssyncadd.s32 $0xFFFFFFFF  }
0xb4: {  	_ =	strace $0x90000048  }
0xb5: {  	_ =	sfence  }
0xb6: {  	s30 =	sld [smem:$0x0];
	_ =	sdelay $0x2  }
0xb7: {  	s31 =	sshll.u32 s1, $0xD;
	s1 =	sshrl.u32 s1, $0x2  }
0xb8: {  	s3 =	sand.u32 $0x4000, s31;
	s1 =	sadd.s32 s1, s30  }
0xb9: {  	s0 =	sor.u32 s3, s0;
	s1 =	sshll.u32 s1, $0x11  }
0xba: {  	s0 =	sor.u32 s1, s0  }
0xbb: {  	s0 =	sadd.s32 $0x8F2B, s0  }
0xbc: {  	[sflag:s0] =	ssyncadd.remote.s32 $0x1  }
0xbd: {  	_ =	sfence.sel $0xFFFF  }
0xbe: {  	[dreg:$0x0] =	wrdreg $0xFFFFFFFF;
	(pc) =	sbr.abs _section_cstart, $3  }
0xbf: {  	[dreg:$0x1] =	wrdreg $0xFFFFFFFF  }
0xc0: {  	_ =	task.clear_ibuf [dreg:s6], $0x2FFFF;
	_ =	strace $0x9FFFFFFF  }
0xc1: {  	(tm) =	ssettm $0x7FFFFFFF  }
tec
execute0_lowered:
.L_overlay_start_1:
0x0: {  	(tag) =	ssettag $0x1  }
0x1: {  	s1 =	srdreg.scid;
	s0 =	stileid.u32  }
0x2: {  	s4 =	rddreg [dreg:$0x0];
	s2 =	simm.s32 $0x0;
	s8 =	simm.s32 $0xC8  }
0x3: {  	s9 =	simm.s32 $0xC810;
	s10 =	simm.s32 $0xFA10;
	s11 =	simm.s32 $0x1  }
0x4: {  	s12 =	simm.s32 $0x2;
	s13 =	simm.s32 $0x12C10;
	s14 =	simm.s32 $0x0  }
0x5: {  	s3 =	sand.u32 $0x1, s1;
	s5 =	sshll.u32 s0, $0x1;
	[smem:$0x7FF] =	sst s2  }
0x6: {  	s1 =	rddreg [dreg:$0x1];
	s5 =	sor.u32 s3, s5;
	_ =	strace $0x80000047  }
0x7: {  	s7 =	ssub.s32 $0x2, s3;
	s6 =	smul.u32 $0xC80, s5;
	s5 =	sshll.u32 s5, $0xA  }
0x8: {  	s3 =	sadd.s32 $0x19C00, s4;
	s31 =	sshrl.u32 s7, $0x1;
	s5 =	sadd.s32 s5, s4  }
0x9: {  	s7 =	ssub.s32 s7, s31;
	s6 =	sadd.s32 s6, s4;
	s5 =	sadd.s32 $0x3F9C00, s5  }
0xa: {  	s4 =	sadd.s32 $0xC00, s6;
	s6 =	smax.u32 s7, $0x1;
	s7 =	simm.s32 $0x3  }
.LBB2_1:
0xb: {  	[tilespmem:s2], [sflag:$0x3] =	stream.linear.gather [hbm4b:s4+s2], $0x6400, $0x38;
	[tilespmem:$0x14C10] =	vst v63  }
0xc: {  	_ =	swait.ge [sflag:s7], $0x6400  }
0xd: {  	[sflag:s7] =	ssyncset.done $0x0  }
0xe: {  	s15 =	simm.s32 $0x40;
	[sflag:s7] =	ssyncadd.s32 $0xFFFF9C00  }
0xf: {  	v0 =	vld [tilespmem:s15+$0xFFFFFFC0];
	_ =	sdelay $0x4  }
0x10: {  	v1 =	vshra.s32 v0, $0x1;
	v2 =	vshll.u32 v0, $0x1  }
0x11: {  	v3 =	vshrl.u32 v0, $0xD;
	v1 =	vand.u32 $0xFFFFC000, v1;
	v2 =	vand.u32 $0x3FFE, v2  }
0x12: {  	v0 =	vxor.u32 $0xFFFFFFFF, v0;
	v1 =	vor.u32 v2, v1;
	v2 =	vand.u32 $0x1, v3  }
0x13: {  	v0 =	vshrl.u32 v0, $0xA;
	v1 =	vor.u32 v2, v1  }
0x14: {  	s16 =	simm.s32 $0x6440;
	v0 =	vand.u32 $0x10, v0;
	[tilespmem:s15+$0xFFFFFFC0] =	vst v1  }
0x15: {  	[tilespmem:s16+$0xFFFFFFC0] =	vst v0  }
0x16: {  	v0 =	vld [tilespmem:s15+$0xFFFFFFD0];
	_ =	sdelay $0x4  }
0x17: {  	v1 =	vshra.s32 v0, $0x1;
	v2 =	vshll.u32 v0, $0x1  }
0x18: {  	v3 =	vshrl.u32 v0, $0xD;
	v1 =	vand.u32 $0xFFFFC000, v1;
	v2 =	vand.u32 $0x3FFE, v2  }
0x19: {  	v0 =	vxor.u32 $0xFFFFFFFF, v0;
	v1 =	vor.u32 v2, v1;
	v2 =	vand.u32 $0x1, v3  }
0x1a: {  	v0 =	vshrl.u32 v0, $0xA;
	v1 =	vor.u32 v2, v1  }
0x1b: {  	v0 =	vand.u32 $0x10, v0;
	[tilespmem:s15+$0xFFFFFFD0] =	vst v1  }
0x1c: {  	[tilespmem:s16+$0xFFFFFFD0] =	vst v0  }
0x1d: {  	v0 =	vld [tilespmem:s15+$0xFFFFFFE0];
	_ =	sdelay $0x4  }
0x1e: {  	v1 =	vshra.s32 v0, $0x1;
	v2 =	vshll.u32 v0, $0x1  }
0x1f: {  	v3 =	vshrl.u32 v0, $0xD;
	v1 =	vand.u32 $0xFFFFC000, v1;
	v2 =	vand.u32 $0x3FFE, v2  }
0x20: {  	v0 =	vxor.u32 $0xFFFFFFFF, v0;
	v1 =	vor.u32 v2, v1;
	v2 =	vand.u32 $0x1, v3  }
0x21: {  	v0 =	vshrl.u32 v0, $0xA;
	v1 =	vor.u32 v2, v1  }
0x22: {  	v0 =	vand.u32 $0x10, v0;
	[tilespmem:s15+$0xFFFFFFE0] =	vst v1  }
0x23: {  	[tilespmem:s16+$0xFFFFFFE0] =	vst v0  }
0x24: {  	v0 =	vld [tilespmem:s15+$0xFFFFFFF0];
	_ =	sdelay $0x4  }
0x25: {  	v1 =	vshra.s32 v0, $0x1;
	v2 =	vshll.u32 v0, $0x1  }
0x26: {  	v3 =	vshrl.u32 v0, $0xD;
	v1 =	vand.u32 $0xFFFFC000, v1;
	v2 =	vand.u32 $0x3FFE, v2  }
0x27: {  	v0 =	vxor.u32 $0xFFFFFFFF, v0;
	v1 =	vor.u32 v2, v1;
	v2 =	vand.u32 $0x1, v3  }
0x28: {  	v0 =	vshrl.u32 v0, $0xA;
	v1 =	vor.u32 v2, v1  }
0x29: {  	v0 =	vand.u32 $0x10, v0;
	[tilespmem:s15+$0xFFFFFFF0] =	vst v1  }
0x2a: {  	[tilespmem:s16+$0xFFFFFFF0] =	vst v0  }
0x2b: {  	v0 =	vld [tilespmem:s15+$0x0];
	_ =	sdelay $0x4  }
0x2c: {  	v1 =	vshra.s32 v0, $0x1;
	v2 =	vshll.u32 v0, $0x1  }
0x2d: {  	v3 =	vshrl.u32 v0, $0xD;
	v1 =	vand.u32 $0xFFFFC000, v1;
	v2 =	vand.u32 $0x3FFE, v2  }
0x2e: {  	v0 =	vxor.u32 $0xFFFFFFFF, v0;
	v1 =	vor.u32 v2, v1;
	v2 =	vand.u32 $0x1, v3  }
0x2f: {  	v0 =	vshrl.u32 v0, $0xA;
	v1 =	vor.u32 v2, v1  }
0x30: {  	v0 =	vand.u32 $0x10, v0;
	[tilespmem:s15+$0x0] =	vst v1  }
0x31: {  	[tilespmem:s16+$0x0] =	vst v0  }
0x32: {  	v0 =	vld [tilespmem:s15+$0x10];
	_ =	sdelay $0x4  }
0x33: {  	v1 =	vshra.s32 v0, $0x1;
	v2 =	vshll.u32 v0, $0x1  }
0x34: {  	v3 =	vshrl.u32 v0, $0xD;
	v1 =	vand.u32 $0xFFFFC000, v1;
	v2 =	vand.u32 $0x3FFE, v2  }
0x35: {  	v0 =	vxor.u32 $0xFFFFFFFF, v0;
	v1 =	vor.u32 v2, v1;
	v2 =	vand.u32 $0x1, v3  }
0x36: {  	v0 =	vshrl.u32 v0, $0xA;
	v1 =	vor.u32 v2, v1  }
0x37: {  	v0 =	vand.u32 $0x10, v0;
	[tilespmem:s15+$0x10] =	vst v1  }
0x38: {  	[tilespmem:s16+$0x10] =	vst v0  }
0x39: {  	v0 =	vld [tilespmem:s15+$0x20];
	_ =	sdelay $0x4  }
0x3a: {  	v1 =	vshra.s32 v0, $0x1;
	v2 =	vshll.u32 v0, $0x1  }
0x3b: {  	v3 =	vshrl.u32 v0, $0xD;
	v1 =	vand.u32 $0xFFFFC000, v1;
	v2 =	vand.u32 $0x3FFE, v2  }
0x3c: {  	v0 =	vxor.u32 $0xFFFFFFFF, v0;
	v1 =	vor.u32 v2, v1;
	v2 =	vand.u32 $0x1, v3  }
0x3d: {  	v0 =	vshrl.u32 v0, $0xA;
	v1 =	vor.u32 v2, v1  }
0x3e: {  	v0 =	vand.u32 $0x10, v0;
	[tilespmem:s15+$0x20] =	vst v1  }
0x3f: {  	[tilespmem:s16+$0x20] =	vst v0  }
0x40: {  	v0 =	vld [tilespmem:s15+$0x30];
	_ =	sdelay $0x4  }
0x41: {  	v1 =	vshra.s32 v0, $0x1;
	v2 =	vshll.u32 v0, $0x1  }
0x42: {  	v3 =	vshrl.u32 v0, $0xD;
	v1 =	vand.u32 $0xFFFFC000, v1;
	v2 =	vand.u32 $0x3FFE, v2  }
0x43: {  	v0 =	vxor.u32 $0xFFFFFFFF, v0;
	v1 =	vor.u32 v2, v1;
	v2 =	vand.u32 $0x1, v3  }
0x44: {  	v0 =	vshrl.u32 v0, $0xA;
	v1 =	vor.u32 v2, v1  }
0x45: {  	s17 =	simm.s32 $0x0;
	v0 =	vand.u32 $0x10, v0;
	[tilespmem:s15+$0x30] =	vst v1  }
.LBB2_2:
0x46: {  	s17 =	sadd.s32 $0x8, s17;
	[tilespmem:s16+$0x30] =	vst v0;
	s15 =	sadd.s32 $0x80, s15;
	s16 =	sadd.s32 $0x80, s16  }
0x47: {  	v0 =	vld [tilespmem:s15+$0xFFFFFFC0];
	p0 =	slt.u32 s17, $0x638;
	_ =	sdelay $0x4  }
0x48: {  	v1 =	vshrl.u32 v0, $0xD;
	v2 =	vshra.s32 v0, $0x1;
	v3 =	vshll.u32 v0, $0x1  }
0x49: {  	v0 =	vxor.u32 $0xFFFFFFFF, v0;
	v2 =	vand.u32 $0xFFFFC000, v2;
	v3 =	vand.u32 $0x3FFE, v3  }
0x4a: {  	v1 =	vand.u32 $0x1, v1;
	v0 =	vshrl.u32 v0, $0xA;
	v2 =	vor.u32 v3, v2  }
0x4b: {  	v1 =	vor.u32 v1, v2  }
0x4c: {  	v0 =	vand.u32 $0x10, v0;
	[tilespmem:s15+$0xFFFFFFC0] =	vst v1  }
0x4d: {  	[tilespmem:s16+$0xFFFFFFC0] =	vst v0  }
0x4e: {  	v0 =	vld [tilespmem:s15+$0xFFFFFFD0];
	_ =	sdelay $0x4  }
0x4f: {  	v1 =	vshrl.u32 v0, $0xD;
	v2 =	vshra.s32 v0, $0x1;
	v3 =	vshll.u32 v0, $0x1  }
0x50: {  	v0 =	vxor.u32 $0xFFFFFFFF, v0;
	v2 =	vand.u32 $0xFFFFC000, v2;
	v3 =	vand.u32 $0x3FFE, v3  }
0x51: {  	v1 =	vand.u32 $0x1, v1;
	v0 =	vshrl.u32 v0, $0xA;
	v2 =	vor.u32 v3, v2  }
0x52: {  	v1 =	vor.u32 v1, v2  }
0x53: {  	v0 =	vand.u32 $0x10, v0;
	[tilespmem:s15+$0xFFFFFFD0] =	vst v1  }
0x54: {  	[tilespmem:s16+$0xFFFFFFD0] =	vst v0  }
0x55: {  	v0 =	vld [tilespmem:s15+$0xFFFFFFE0];
	_ =	sdelay $0x4  }
0x56: {  	v1 =	vshrl.u32 v0, $0xD;
	v2 =	vshra.s32 v0, $0x1;
	v3 =	vshll.u32 v0, $0x1  }
0x57: {  	v0 =	vxor.u32 $0xFFFFFFFF, v0;
	v2 =	vand.u32 $0xFFFFC000, v2;
	v3 =	vand.u32 $0x3FFE, v3  }
0x58: {  	v1 =	vand.u32 $0x1, v1;
	v0 =	vshrl.u32 v0, $0xA;
	v2 =	vor.u32 v3, v2  }
0x59: {  	v1 =	vor.u32 v1, v2  }
0x5a: {  	v0 =	vand.u32 $0x10, v0;
	[tilespmem:s15+$0xFFFFFFE0] =	vst v1  }
0x5b: {  	[tilespmem:s16+$0xFFFFFFE0] =	vst v0  }
0x5c: {  	v0 =	vld [tilespmem:s15+$0xFFFFFFF0];
	_ =	sdelay $0x4  }
0x5d: {  	v1 =	vshrl.u32 v0, $0xD;
	v2 =	vshra.s32 v0, $0x1;
	v3 =	vshll.u32 v0, $0x1  }
0x5e: {  	v0 =	vxor.u32 $0xFFFFFFFF, v0;
	v2 =	vand.u32 $0xFFFFC000, v2;
	v3 =	vand.u32 $0x3FFE, v3  }
0x5f: {  	v1 =	vand.u32 $0x1, v1;
	v0 =	vshrl.u32 v0, $0xA;
	v2 =	vor.u32 v3, v2  }
0x60: {  	v1 =	vor.u32 v1, v2  }
0x61: {  	v0 =	vand.u32 $0x10, v0;
	[tilespmem:s15+$0xFFFFFFF0] =	vst v1  }
0x62: {  	[tilespmem:s16+$0xFFFFFFF0] =	vst v0  }
0x63: {  	v0 =	vld [tilespmem:s15+$0x0];
	_ =	sdelay $0x4  }
0x64: {  	v1 =	vshrl.u32 v0, $0xD;
	v2 =	vshra.s32 v0, $0x1;
	v3 =	vshll.u32 v0, $0x1  }
0x65: {  	v0 =	vxor.u32 $0xFFFFFFFF, v0;
	v2 =	vand.u32 $0xFFFFC000, v2;
	v3 =	vand.u32 $0x3FFE, v3  }
0x66: {  	v1 =	vand.u32 $0x1, v1;
	v0 =	vshrl.u32 v0, $0xA;
	v2 =	vor.u32 v3, v2  }
0x67: {  	v1 =	vor.u32 v1, v2  }
0x68: {  	v0 =	vand.u32 $0x10, v0;
	[tilespmem:s15+$0x0] =	vst v1  }
0x69: {  	[tilespmem:s16+$0x0] =	vst v0  }
0x6a: {  	v0 =	vld [tilespmem:s15+$0x10];
	_ =	sdelay $0x4  }
0x6b: {  	v1 =	vshrl.u32 v0, $0xD;
	v2 =	vshra.s32 v0, $0x1;
	v3 =	vshll.u32 v0, $0x1  }
0x6c: {  	v0 =	vxor.u32 $0xFFFFFFFF, v0;
	v2 =	vand.u32 $0xFFFFC000, v2;
	v3 =	vand.u32 $0x3FFE, v3  }
0x6d: {  	v1 =	vand.u32 $0x1, v1;
	v0 =	vshrl.u32 v0, $0xA;
	v2 =	vor.u32 v3, v2  }
0x6e: {  	v1 =	vor.u32 v1, v2  }
0x6f: {  	v0 =	vand.u32 $0x10, v0;
	[tilespmem:s15+$0x10] =	vst v1  }
0x70: {  	[tilespmem:s16+$0x10] =	vst v0  }
0x71: {  	v0 =	vld [tilespmem:s15+$0x20];
	_ =	sdelay $0x4  }
0x72: {  	v1 =	vshrl.u32 v0, $0xD;
	v2 =	vshra.s32 v0, $0x1;
	v3 =	vshll.u32 v0, $0x1  }
0x73: {  	v0 =	vxor.u32 $0xFFFFFFFF, v0;
	v2 =	vand.u32 $0xFFFFC000, v2;
	v3 =	vand.u32 $0x3FFE, v3  }
0x74: {  	v1 =	vand.u32 $0x1, v1;
	v0 =	vshrl.u32 v0, $0xA;
	v2 =	vor.u32 v3, v2  }
0x75: {  	v1 =	vor.u32 v1, v2  }
0x76: {  	v0 =	vand.u32 $0x10, v0;
	[tilespmem:s15+$0x20] =	vst v1  }
0x77: {  	[tilespmem:s16+$0x20] =	vst v0  }
0x78: {  	v0 =	vld [tilespmem:s15+$0x30];
	_ =	sdelay $0x4  }
.Ltmp0:
0x79: {  	v1 =	vshrl.u32 v0, $0xD;
	v2 =	vshra.s32 v0, $0x1;
	v3 =	vshll.u32 v0, $0x1;
	(pc) =	sbr.rel @p0 .LBB2_2-.Ltmp0, $4  }
0x7a: {  	v0 =	vxor.u32 $0xFFFFFFFF, v0;
	v2 =	vand.u32 $0xFFFFC000, v2;
	v3 =	vand.u32 $0x3FFE, v3  }
0x7b: {  	v1 =	vand.u32 $0x1, v1;
	v0 =	vshrl.u32 v0, $0xA;
	v2 =	vor.u32 v3, v2  }
0x7c: {  	v1 =	vor.u32 v1, v2  }
0x7d: {  	v0 =	vand.u32 $0x10, v0;
	[tilespmem:s15+$0x30] =	vst v1  }
0x7e: {  	[tilespmem:s16+$0x30] =	vst v0;
	s15 =	simm.s32 $0x0  }
0x7f: {  	[tilespmem:s9], [sflag:$0x1] =	stream.indirect.gather [hbm4b:s3+s8], $0x40, s15, s8, $0xb8;
	[tilespmem:$0x14C10] =	vst v63  }
0x80: {  	s16 =	simm.s32 $0x6400;
	s17 =	simm.s32 $0x64C8  }
0x81: {  	[tilespmem:s10], [sflag:$0x2] =	stream.indirect.gather [hbm4b:s3+s8], $0x40, s8, s8, $0xb8;
	[tilespmem:$0x14C10] =	vst v63  }
.LBB2_4:
0x82: {  	_ =	swait.ge [sflag:s11], $0x3200  }
0x83: {  	[sflag:s11] =	ssyncset.done $0x0  }
0x84: {  	s20 =	simm.s32 $0xC910;
	[sflag:s11] =	ssyncadd.s32 $0xFFFFCE00  }
0x85: {  	v2 =	vld [tilespmem:s20+$0xFFFFFF50]  }
0x86: {  	v4 =	vld [tilespmem:s20+$0xB0]  }
0x87: {  	v3 =	vld [tilespmem:s20+$0x90]  }
0x88: {  	v9 =	vld [tilespmem:s20+$0x80]  }
0x89: {  	v1 =	vmov s16;
	v6 =	vld [tilespmem:s20+$0xFFFFFF30]  }
0x8a: {  	v10 =	vld [tilespmem:s20+$0xFFFFFF10]  }
0x8b: {  	v7 =	vld [tilespmem:s20+$0xFFFFFF00]  }
0x8c: {  	v11 =	vld [tilespmem:s20+$0xFFFFFF20]  }
0x8d: {  	s18 =	simm.s32 $0x0;
	v13 =	vld [tilespmem:s20+$0xFFFFFFE0]  }
0x8e: {  	v5 =	vld.idx.msk [tilespmem:v1+s18+$0x0 ss:$0x1], $0xffff  }
0x8f: {  	v15 =	vld [tilespmem:s20+$0xFFFFFF70]  }
0x90: {  	v17 =	vld [tilespmem:s20+$0xFFFFFFF0]  }
0x91: {  	v12 =	vld [tilespmem:s20+$0xFFFFFF40]  }
0x92: {  	v16 =	vld [tilespmem:s20+$0xFFFFFFC0]  }
0x93: {  	v18 =	vld [tilespmem:s20+$0xFFFFFF80];
	v14 =	vbroadcast v5, $0x0;
	v22 =	vbroadcast v5, $0x3  }
0x94: {  	v24 =	vimm.f32 $0.0e+00;
	v34 =	vld [tilespmem:s20+$0x0];
	v26 =	vbroadcast v5, $0x2;
	v8 =	vbroadcast v5, $0x6  }
0x95: {  	v27 =	vld [tilespmem:s20+$0xFFFFFFD0];
	v20 =	vbroadcast v5, $0x1;
	v37 =	vbroadcast v5, $0x4;
	v11 =	vshll.u32 v11, v14  }
0x96: {  	v23 =	vld [tilespmem:s20+$0xFFFFFF90];
	v6 =	vshll.u32 v6, v14;
	v19 =	vshll.u32 v7, v14;
	v7 =	vbroadcast v5, $0x5  }
0x97: {  	v25 =	vld [tilespmem:s20+$0xFFFFFF60];
	v12 =	vshll.u32 v12, v20;
	v2 =	vshll.u32 v2, v20;
	v3 =	vshll.u32 v3, v8  }
0x98: {  	v30 =	vld [tilespmem:s20+$0x40];
	v4 =	vshll.u32 v4, v8;
	v31 =	vshll.u32 v10, v14;
	v13 =	vshll.u32 v13, v22  }
0x99: {  	v39 =	vld [tilespmem:s20+$0x30];
	v33 =	vshll.u32 v17, v22;
	v15 =	vshll.u32 v15, v20;
	v34 =	vshll.u32 v34, v37  }
0x9a: {  	v32 =	vld [tilespmem:s20+$0x50];
	v28 =	vand.u32 $0xFFFF0000, v11;
	v21 =	vand.u32 $0xFFFF0000, v6;
	v29 =	vand.u32 $0xFFFF0000, v19  }
0x9b: {  	v36 =	vld [tilespmem:s20+$0xFFFFFFA0];
	v6 =	vshll.u32 v16, v22;
	v16 =	vshll.u32 v18, v26;
	v14 =	vand.u32 $0xFFFF0000, v13  }
0x9c: {  	v11 =	vld [tilespmem:s20+$0xFFFFFFB0];
	v18 =	vand.u32 $0xFFFF0000, v2;
	v2 =	vshll.u32 v25, v20;
	v25 =	vand.u32 $0xFFFF0000, v15  }
0x9d: {  	v13 =	vld [tilespmem:s20+$0x70];
	v20 =	vshll.u32 v23, v26;
	v31 =	vand.u32 $0xFFFF0000, v31;
	v22 =	vshll.u32 v27, v22  }
0x9e: {  	v38 =	vld [tilespmem:s20+$0x20];
	v27 =	vand.u32 $0xFFFF0000, v33;
	v33 =	vshll.u32 v39, v37;
	v6 =	vand.u32 $0xFFFF0000, v6  }
0x9f: {  	v17 =	vld [tilespmem:s20+$0x10];
	v19 =	vadd.f32 v21, v24;
	v21 =	vshll.u32 v30, v7;
	v30 =	vadd.f32 v28, v24  }
0xa0: {  	v0 =	vld [tilespmem:s20+$0xE0];
	v10 =	vand.u32 $0xFFFF0000, v16;
	v35 =	vand.u32 $0xFFFF0000, v2;
	v23 =	vadd.f32 v29, v24  }
0xa1: {  	v2 =	vshll.u32 v32, v7;
	v29 =	vld [tilespmem:s20+$0xA0];
	v31 =	vadd.f32 v31, v24;
	v30 =	vadd.f32 v35, v30  }
0xa2: {  	v28 =	vld [tilespmem:s20+$0x60];
	v11 =	vshll.u32 v11, v26;
	v15 =	vshll.u32 v13, v7;
	v13 =	vshll.u32 v36, v26  }
0xa3: {  	v16 =	vand.u32 $0xFFFF0000, v11;
	v11 =	vshll.u32 v9, v8;
	v9 =	vand.u32 $0xFFFF0000, v2;
	v2 =	vld [tilespmem:s20+$0xD0]  }
0xa4: {  	v32 =	vshll.u32 v38, v37;
	v17 =	vshll.u32 v17, v37;
	v24 =	vand.u32 $0xFFFF0000, v13;
	v13 =	vld [tilespmem:s20+$0xF0]  }
0xa5: {  	s19 =	simm.s32 $0x20;
	s18 =	smul.u32 $0x640, s15;
	v17 =	vand.u32 $0xFFFF0000, v17;
	v26 =	vand.u32 $0xFFFF0000, v34;
	v30 =	vadd.f32 v24, v30;
	v24 =	vld [tilespmem:s20+$0xC0];
	s20 =	simm.s32 $0xCB10  }
.LBB2_5:
0xa6: {  	s21 =	sshra.s32 s19, $0x2;
	v34 =	vld [tilespmem:s20+$0xFFFFFF50];
	p0 =	sne.s32 s19, $0x300;
	s19 =	sadd.s32 $0x20, s19;
	v12 =	vand.u32 $0xFFFF0000, v12;
	v8 =	vshll.u32 v29, v8;
	v29 =	vbroadcast v5, $0x7  }
0xa7: {  	v19 =	vadd.f32 v25, v19;
	v25 =	vand.u32 $0xFFFF0000, v33;
	v5 =	vld [tilespmem:s20+$0xE0];
	v8 =	vand.u32 $0xFFFF0000, v8  }
0xa8: {  	v18 =	vadd.f32 v18, v31;
	v12 =	vadd.f32 v12, v23;
	v23 =	vand.u32 $0xFFFF0000, v32;
	v33 =	vld [tilespmem:s20+$0xD0]  }
0xa9: {  	v7 =	vshll.u32 v28, v7;
	v16 =	vadd.f32 v16, v19;
	v19 =	vshll.u32 v0, v29;
	v31 =	vld [tilespmem:s20+$0xB0]  }
0xaa: {  	v30 =	vadd.f32 v14, v30;
	v14 =	vand.u32 $0xFFFF0000, v21;
	v7 =	vand.u32 $0xFFFF0000, v7;
	v28 =	vld [tilespmem:s20+$0x90]  }
0xab: {  	v10 =	vadd.f32 v10, v12;
	v12 =	vand.u32 $0xFFFF0000, v20;
	v16 =	vadd.f32 v27, v16;
	v21 =	vld [tilespmem:s20+$0x80]  }
0xac: {  	v12 =	vadd.f32 v12, v18;
	v18 =	vand.u32 $0xFFFF0000, v22;
	v22 =	vadd.f32 v23, v30;
	v20 =	vld [tilespmem:s20+$0xFFFFFF30];
	v0 =	vmovc v5  }
0xad: {  	v5 =	vadd.f32 v6, v10;
	v6 =	vadd.f32 v25, v16;
	v10 =	vand.u32 $0xFFFF0000, v11;
	v23 =	vld [tilespmem:s20+$0xFFFFFF10]  }
0xae: {  	v12 =	vadd.f32 v18, v12;
	v7 =	vadd.f32 v7, v22;
	v16 =	vand.u32 $0xFFFF0000, v19;
	v11 =	vld [tilespmem:s20+$0xFFFFFF00]  }
0xaf: {  	v22 =	vshll.u32 v24, v29;
	v24 =	vshll.u32 v2, v29;
	v2 =	vmovc v33;
	v19 =	vadd.f32 v26, v5;
	v18 =	vld [tilespmem:s20+$0xFFFFFF20]  }
0xb0: {  	v15 =	vand.u32 $0xFFFF0000, v15;
	v12 =	vadd.f32 v17, v12;
	v7 =	vadd.f32 v8, v7;
	v5 =	vld.idx.msk [tilespmem:v1+s21+$0x0 ss:$0x1], $0xffff  }
0xb1: {  	v6 =	vadd.f32 v15, v6;
	v8 =	vadd.f32 v14, v19;
	v14 =	vand.u32 $0xFFFF0000, v22;
	v17 =	vld [tilespmem:s20+$0xFFFFFFE0]  }
0xb2: {  	v3 =	vand.u32 $0xFFFF0000, v3;
	v4 =	vand.u32 $0xFFFF0000, v4;
	v9 =	vadd.f32 v9, v12;
	v33 =	vld [tilespmem:s20+$0x30]  }
0xb3: {  	v4 =	vadd.f32 v4, v6;
	v22 =	vadd.f32 v16, v7;
	v6 =	vshll.u32 v13, v29;
	v15 =	vld [tilespmem:s20+$0xFFFFFF70]  }
0xb4: {  	v7 =	vand.u32 $0xFFFF0000, v24;
	v6 =	vand.u32 $0xFFFF0000, v6;
	v3 =	vadd.f32 v3, v9;
	v13 =	vld [tilespmem:s20+$0xFFFFFFF0]  }
0xb5: {  	v10 =	vadd.f32 v10, v8;
	v16 =	vadd.f32 v6, v4;
	v9 =	vld [tilespmem:s20+$0xFFFFFF40]  }
0xb6: {  	v26 =	vadd.f32 v7, v3;
	v19 =	vbroadcast v5, $0x0;
	v24 =	vbroadcast v5, $0x3;
	v4 =	vld [tilespmem:s20+$0xFFFFFFC0]  }
0xb7: {  	v29 =	vadd.f32 v14, v10;
	v27 =	vbroadcast v5, $0x2;
	v8 =	vbroadcast v5, $0x6;
	v6 =	vld [tilespmem:s20+$0xFFFFFF80]  }
0xb8: {  	v3 =	vshll.u32 v18, v19;
	v10 =	vshll.u32 v20, v19;
	v20 =	vbroadcast v5, $0x1;
	v30 =	vld [tilespmem:s20+$0xFFFFFFD0]  }
0xb9: {  	v7 =	vbroadcast v5, $0x5;
	v11 =	vshll.u32 v11, v19;
	v32 =	vand.u32 $0xFFFF0000, v3;
	v14 =	vld [tilespmem:s20+$0xFFFFFFB0]  }
0xba: {  	v18 =	vand.u32 $0xFFFF0000, v10;
	v12 =	vshll.u32 v9, v20;
	v9 =	vshll.u32 v34, v20;
	v34 =	vld [tilespmem:s20+$0xFFFFFF90]  }
0xbb: {  	v35 =	vand.u32 $0xFFFF0000, v11;
	v3 =	vshll.u32 v28, v8;
	v11 =	vld [tilespmem:s20+$0xFFFFFF60];
	v4 =	vshll.u32 v4, v24  }
0xbc: {  	v10 =	vshll.u32 v6, v27;
	v6 =	vand.u32 $0xFFFF0000, v4;
	v28 =	vld [tilespmem:s20+$0x40];
	v4 =	vshll.u32 v31, v8  }
0xbd: {  	v17 =	vshll.u32 v17, v24;
	v31 =	vshll.u32 v23, v19;
	v10 =	vand.u32 $0xFFFF0000, v10;
	v36 =	vld [tilespmem:s20+$0x50]  }
0xbe: {  	v19 =	vadd.f32 v18, v16;
	v16 =	vshll.u32 v14, v27;
	v14 =	vand.u32 $0xFFFF0000, v17;
	v17 =	vld [tilespmem:s20+$0x70]  }
0xbf: {  	v13 =	vshll.u32 v13, v24;
	v18 =	vand.u32 $0xFFFF0000, v9;
	v16 =	vand.u32 $0xFFFF0000, v16;
	v37 =	vld [tilespmem:s20+$0x10]  }
0xc0: {  	v15 =	vshll.u32 v15, v20;
	v9 =	vshll.u32 v11, v20;
	v38 =	vld [tilespmem:s20+$0x0];
	v11 =	vshll.u32 v21, v8  }
0xc1: {  	v25 =	vand.u32 $0xFFFF0000, v15;
	v20 =	vshll.u32 v34, v27;
	v39 =	vand.u32 $0xFFFF0000, v9;
	v34 =	vld [tilespmem:s20+$0xFFFFFFA0]  }
0xc2: {  	v23 =	vadd.f32 v35, v29;
	v35 =	vbroadcast v5, $0x4;
	v40 =	vld [tilespmem:s20+$0x20];
	v9 =	vshll.u32 v36, v7  }
0xc3: {  	v31 =	vand.u32 $0xFFFF0000, v31;
	v21 =	vshll.u32 v28, v7;
	v9 =	vand.u32 $0xFFFF0000, v9;
	v29 =	vld [tilespmem:s20+$0xA0]  }
.Ltmp1:
0xc4: {  	v32 =	vadd.f32 v32, v22;
	v15 =	vshll.u32 v17, v7;
	v36 =	vshll.u32 v37, v35;
	v28 =	vld [tilespmem:s20+$0x60];
	(pc) =	sbr.rel @p0 .LBB2_5-.Ltmp1, $4  }
0xc5: {  	v22 =	vshll.u32 v30, v24;
	v24 =	vshll.u32 v38, v35;
	v17 =	vand.u32 $0xFFFF0000, v36  }
0xc6: {  	v30 =	vadd.f32 v39, v32;
	v32 =	vshll.u32 v34, v27;
	v27 =	vand.u32 $0xFFFF0000, v13  }
0xc7: {  	v31 =	vadd.f32 v31, v26;
	v26 =	vand.u32 $0xFFFF0000, v32;
	v32 =	vshll.u32 v40, v35;
	v13 =	vld [tilespmem:s20+$0xF0]  }
0xc8: {  	v33 =	vshll.u32 v33, v35;
	v30 =	vadd.f32 v26, v30;
	v26 =	vand.u32 $0xFFFF0000, v24;
	v24 =	vld [tilespmem:s20+$0xC0];
	s20 =	sadd.s32 $0x200, s20  }
0xc9: {  	v1 =	vand.u32 $0xFFFF0000, v12  }
0xca: {  	v8 =	vshll.u32 v29, v8;
	v5 =	vbroadcast v5, $0x7;
	v12 =	vadd.f32 v25, v19  }
0xcb: {  	v19 =	vand.u32 $0xFFFF0000, v33;
	v18 =	vadd.f32 v18, v31;
	v7 =	vshll.u32 v28, v7  }
0xcc: {  	v11 =	vand.u32 $0xFFFF0000, v11;
	v3 =	vand.u32 $0xFFFF0000, v3;
	v1 =	vadd.f32 v1, v23  }
0xcd: {  	v4 =	vand.u32 $0xFFFF0000, v4;
	v8 =	vand.u32 $0xFFFF0000, v8;
	v23 =	vand.u32 $0xFFFF0000, v32  }
0xce: {  	v14 =	vadd.f32 v14, v30;
	v1 =	vadd.f32 v10, v1;
	v10 =	vand.u32 $0xFFFF0000, v20  }
0xcf: {  	v7 =	vand.u32 $0xFFFF0000, v7;
	v12 =	vadd.f32 v16, v12;
	v10 =	vadd.f32 v10, v18  }
0xd0: {  	v0 =	vshll.u32 v0, v5;
	v16 =	vand.u32 $0xFFFF0000, v22;
	v1 =	vadd.f32 v6, v1  }
0xd1: {  	v2 =	vshll.u32 v2, v5;
	v14 =	vadd.f32 v23, v14;
	v10 =	vadd.f32 v16, v10  }
0xd2: {  	v0 =	vand.u32 $0xFFFF0000, v0;
	v12 =	vadd.f32 v27, v12;
	v1 =	vadd.f32 v26, v1  }
0xd3: {  	v6 =	vand.u32 $0xFFFF0000, v21;
	v7 =	vadd.f32 v7, v14;
	v10 =	vadd.f32 v17, v10  }
0xd4: {  	v2 =	vand.u32 $0xFFFF0000, v2;
	v12 =	vadd.f32 v19, v12;
	v1 =	vadd.f32 v6, v1  }
0xd5: {  	v7 =	vadd.f32 v8, v7;
	v6 =	vand.u32 $0xFFFF0000, v15;
	v9 =	vadd.f32 v9, v10  }
0xd6: {  	p0 =	seq.s32 s15, $0x3F;
	v14 =	vshll.u32 v24, v5;
	v6 =	vadd.f32 v6, v12;
	v1 =	vadd.f32 v11, v1  }
0xd7: {  	s28 =	sshll.u32 s15, $0x7;
	s18 =	sshra.s32 @!p0 s18, $0x2;
	v8 =	vand.u32 $0xFFFF0000, v14;
	v0 =	vadd.f32 v0, v7;
	v3 =	vadd.f32 v3, v9  }
0xd8: {  	s20 =	simm.s32 @!p0 $0xC8;
	s21 =	simm.s32 @!p0 $0xC810;
	s19 =	sadd.s32 @!p0 $0x190, s18;
	v5 =	vshll.u32 v13, v5;
	v4 =	vadd.f32 v4, v6;
	v1 =	vadd.f32 v8, v1  }
0xd9: {  	[tilespmem:s21], [sflag:$0x1] =	stream.indirect.gather @!p0 [hbm4b:s3+s20], $0x40, s19, s20, $0xb8;
	v0 =	vmul.f32 $4.999999890e-03, v0;
	v2 =	vadd.f32 v2, v3;
	v3 =	vand.u32 $0xFFFF0000, v5;
	[tilespmem:$0x14C10] =	vst v63  }
0xda: {  	s19 =	sand.u32 $0x3FFFFF80, s28;
	v1 =	vmul.f32 $4.999999890e-03, v1;
	v3 =	vadd.f32 v3, v4  }
0xdb: {  	[tilespmem:s19+$0x12C30] =	vst v0;
	v2 =	vmul.f32 $4.999999890e-03, v2  }
0xdc: {  	[tilespmem:s19+$0x12C10] =	vst v1;
	v1 =	vmul.f32 $4.999999890e-03, v3  }
0xdd: {  	[tilespmem:s19+$0x12C20] =	vst v2  }
0xde: {  	[tilespmem:s19+$0x12C40] =	vst v1  }
0xdf: {  	_ =	swait.ge [sflag:s12], $0x3200  }
0xe0: {  	[sflag:s12] =	ssyncset.done $0x0  }
0xe1: {  	s29 =	simm.s32 $0xFC00;
	[sflag:s12] =	ssyncadd.s32 $0xFFFFCE00  }
0xe2: {  	v2 =	vld [tilespmem:s29+$0xFFFFFE60]  }
0xe3: {  	v4 =	vld [tilespmem:s29+$0xFFFFFFC0]  }
0xe4: {  	v3 =	vld [tilespmem:s29+$0xFFFFFFA0]  }
0xe5: {  	v6 =	vld [tilespmem:s29+$0xFFFFFE40]  }
0xe6: {  	v1 =	vmov s17;
	v10 =	vld [tilespmem:s29+$0xFFFFFE20]  }
0xe7: {  	v7 =	vld [tilespmem:s29+$0xFFFFFE10]  }
0xe8: {  	v11 =	vld [tilespmem:s29+$0xFFFFFE30]  }
0xe9: {  	v13 =	vld [tilespmem:s29+$0xFFFFFEF0]  }
0xea: {  	s30 =	simm.s32 $0x0;
	v14 =	vld [tilespmem:s29+$0xFFFFFE80]  }
0xeb: {  	v5 =	vld.idx.msk [tilespmem:v1+s30+$0x0 ss:$0x1], $0xffff  }
0xec: {  	v15 =	vld [tilespmem:s29+$0xFFFFFF00]  }
0xed: {  	v12 =	vld [tilespmem:s29+$0xFFFFFE50]  }
0xee: {  	v18 =	vld [tilespmem:s29+$0xFFFFFED0]  }
0xef: {  	v22 =	vld [tilespmem:s29+$0xFFFFFEE0]  }
0xf0: {  	v34 =	vld [tilespmem:s29+$0xFFFFFF10];
	v16 =	vbroadcast v5, $0x0;
	v17 =	vbroadcast v5, $0x3  }
0xf1: {  	v25 =	vimm.f32 $0.0e+00;
	v37 =	vld [tilespmem:s29+$0xFFFFFF30];
	v26 =	vbroadcast v5, $0x2;
	v8 =	vbroadcast v5, $0x6  }
0xf2: {  	v38 =	vld [tilespmem:s29+$0xFFFFFF40];
	v20 =	vbroadcast v5, $0x1;
	v36 =	vbroadcast v5, $0x4;
	v11 =	vshll.u32 v11, v16  }
0xf3: {  	v19 =	vld [tilespmem:s29+$0xFFFFFE90];
	v6 =	vshll.u32 v6, v16;
	v21 =	vshll.u32 v7, v16;
	v7 =	vbroadcast v5, $0x5  }
0xf4: {  	v28 =	vld [tilespmem:s29+$0xFFFFFEA0];
	v12 =	vshll.u32 v12, v20;
	v2 =	vshll.u32 v2, v20;
	v3 =	vshll.u32 v3, v8  }
0xf5: {  	v24 =	vld [tilespmem:s29+$0xFFFFFE70];
	v4 =	vshll.u32 v4, v8;
	v30 =	vshll.u32 v10, v16;
	v13 =	vshll.u32 v13, v17  }
0xf6: {  	v29 =	vld [tilespmem:s29+$0xFFFFFF50];
	v63 =	vshll.u32 v15, v17;
	v14 =	vshll.u32 v14, v20;
	v22 =	vshll.u32 v22, v17  }
0xf7: {  	v31 =	vld [tilespmem:s29+$0xFFFFFF60];
	v34 =	vshll.u32 v34, v36;
	v32 =	vshll.u32 v37, v36;
	v33 =	vshll.u32 v38, v36  }
0xf8: {  	v15 =	vld [tilespmem:s29+$0xFFFFFF20];
	v27 =	vand.u32 $0xFFFF0000, v11;
	v23 =	vand.u32 $0xFFFF0000, v6;
	v21 =	vand.u32 $0xFFFF0000, v21  }
0xf9: {  	v11 =	vld [tilespmem:s29+$0xFFFFFEC0];
	v6 =	vshll.u32 v18, v17;
	v18 =	vshll.u32 v19, v26;
	v13 =	vand.u32 $0xFFFF0000, v13  }
0xfa: {  	v9 =	vld [tilespmem:s29+$0xFFFFFF90];
	v30 =	vand.u32 $0xFFFF0000, v30;
	v6 =	vand.u32 $0xFFFF0000, v6;
	v10 =	vand.u32 $0xFFFF0000, v18  }
0xfb: {  	v18 =	vand.u32 $0xFFFF0000, v2;
	v2 =	vshll.u32 v24, v20;
	v24 =	vand.u32 $0xFFFF0000, v14;
	v14 =	vld [tilespmem:s29+$0xFFFFFEB0]  }
0xfc: {  	v0 =	vld [tilespmem:s29+$0xFFFFFFF0];
	v19 =	vadd.f32 v23, v25;
	v20 =	vshll.u32 v28, v26;
	v23 =	vadd.f32 v21, v25  }
0xfd: {  	v62 =	vld [tilespmem:s29+$0xFFFFFF80];
	v21 =	vshll.u32 v29, v7;
	v27 =	vadd.f32 v27, v25;
	v35 =	vand.u32 $0xFFFF0000, v2  }
0xfe: {  	v29 =	vld [tilespmem:s29+$0xFFFFFFB0];
	v2 =	vshll.u32 v31, v7;
	v28 =	vshll.u32 v15, v36;
	v11 =	vshll.u32 v11, v26  }
0xff: {  	v35 =	vadd.f32 v35, v27;
	v17 =	vand.u32 $0xFFFF0000, v28;
	v28 =	vld [tilespmem:s29+$0xFFFFFF70];
	v16 =	vand.u32 $0xFFFF0000, v11  }
0x100: {  	v11 =	vshll.u32 v9, v8;
	v9 =	vand.u32 $0xFFFF0000, v2;
	v2 =	vld [tilespmem:s29+$0xFFFFFFE0];
	v14 =	vshll.u32 v14, v26  }
0x101: {  	s31 =	sshll.u32 s15, $0x1;
	v31 =	vadd.f32 v30, v25;
	v27 =	vand.u32 $0xFFFF0000, v63;
	v25 =	vand.u32 $0xFFFF0000, v14;
	v14 =	vld [tilespmem:s29+$0x0]  }
0x102: {  	s20 =	simm.s32 $0x20;
	s21 =	simm.s32 $0xFE00;
	s19 =	sor.u32 $0x1, s31;
	v15 =	vshll.u32 v62, v7;
	v26 =	vand.u32 $0xFFFF0000, v34;
	v30 =	vadd.f32 v25, v35;
	v25 =	vld [tilespmem:s29+$0xFFFFFFD0]  }
.LBB2_7:
0x103: {  	s22 =	sshra.s32 s20, $0x2;
	v34 =	vld [tilespmem:s21+$0xFFFFFE60];
	p1 =	sne.s32 s20, $0x300;
	s20 =	sadd.s32 $0x20, s20;
	v12 =	vand.u32 $0xFFFF0000, v12;
	v8 =	vshll.u32 v29, v8;
	v29 =	vbroadcast v5, $0x7  }
0x104: {  	v19 =	vadd.f32 v24, v19;
	v24 =	vand.u32 $0xFFFF0000, v33;
	v5 =	vld [tilespmem:s21+$0xFFFFFFF0];
	v8 =	vand.u32 $0xFFFF0000, v8  }
0x105: {  	v18 =	vadd.f32 v18, v31;
	v12 =	vadd.f32 v12, v23;
	v23 =	vand.u32 $0xFFFF0000, v32;
	v33 =	vld [tilespmem:s21+$0xFFFFFFE0]  }
0x106: {  	v7 =	vshll.u32 v28, v7;
	v16 =	vadd.f32 v16, v19;
	v19 =	vshll.u32 v0, v29;
	v31 =	vld [tilespmem:s21+$0xFFFFFFC0]  }
0x107: {  	v30 =	vadd.f32 v13, v30;
	v13 =	vand.u32 $0xFFFF0000, v21;
	v7 =	vand.u32 $0xFFFF0000, v7;
	v28 =	vld [tilespmem:s21+$0xFFFFFFA0]  }
0x108: {  	v10 =	vadd.f32 v10, v12;
	v12 =	vand.u32 $0xFFFF0000, v20;
	v16 =	vadd.f32 v27, v16;
	v21 =	vld [tilespmem:s21+$0xFFFFFF90]  }
0x109: {  	v12 =	vadd.f32 v12, v18;
	v18 =	vand.u32 $0xFFFF0000, v22;
	v22 =	vadd.f32 v23, v30;
	v20 =	vld [tilespmem:s21+$0xFFFFFE40];
	v0 =	vmovc v5  }
0x10a: {  	v5 =	vadd.f32 v6, v10;
	v6 =	vadd.f32 v24, v16;
	v10 =	vand.u32 $0xFFFF0000, v11;
	v23 =	vld [tilespmem:s21+$0xFFFFFE20]  }
0x10b: {  	v12 =	vadd.f32 v18, v12;
	v7 =	vadd.f32 v7, v22;
	v16 =	vand.u32 $0xFFFF0000, v19;
	v11 =	vld [tilespmem:s21+$0xFFFFFE10]  }
0x10c: {  	v22 =	vshll.u32 v25, v29;
	v24 =	vshll.u32 v2, v29;
	v2 =	vmovc v33;
	v19 =	vadd.f32 v26, v5;
	v18 =	vld [tilespmem:s21+$0xFFFFFE30]  }
0x10d: {  	v15 =	vand.u32 $0xFFFF0000, v15;
	v12 =	vadd.f32 v17, v12;
	v7 =	vadd.f32 v8, v7;
	v5 =	vld.idx.msk [tilespmem:v1+s22+$0x0 ss:$0x1], $0xffff  }
0x10e: {  	v6 =	vadd.f32 v15, v6;
	v8 =	vadd.f32 v13, v19;
	v13 =	vand.u32 $0xFFFF0000, v22;
	v17 =	vld [tilespmem:s21+$0xFFFFFEF0]  }
0x10f: {  	v3 =	vand.u32 $0xFFFF0000, v3;
	v4 =	vand.u32 $0xFFFF0000, v4;
	v9 =	vadd.f32 v9, v12;
	v25 =	vld [tilespmem:s21+$0xFFFFFF40]  }
0x110: {  	v4 =	vadd.f32 v4, v6;
	v22 =	vadd.f32 v16, v7;
	v6 =	vshll.u32 v14, v29;
	v15 =	vld [tilespmem:s21+$0xFFFFFE80]  }
0x111: {  	v7 =	vand.u32 $0xFFFF0000, v24;
	v6 =	vand.u32 $0xFFFF0000, v6;
	v3 =	vadd.f32 v3, v9;
	v14 =	vld [tilespmem:s21+$0xFFFFFF00]  }
0x112: {  	v10 =	vadd.f32 v10, v8;
	v16 =	vadd.f32 v6, v4;
	v9 =	vld [tilespmem:s21+$0xFFFFFE50]  }
0x113: {  	v30 =	vadd.f32 v7, v3;
	v19 =	vbroadcast v5, $0x0;
	v26 =	vbroadcast v5, $0x3;
	v4 =	vld [tilespmem:s21+$0xFFFFFED0]  }
0x114: {  	v29 =	vadd.f32 v13, v10;
	v27 =	vbroadcast v5, $0x2;
	v8 =	vbroadcast v5, $0x6;
	v6 =	vld [tilespmem:s21+$0xFFFFFE90]  }
0x115: {  	v3 =	vshll.u32 v18, v19;
	v10 =	vshll.u32 v20, v19;
	v20 =	vbroadcast v5, $0x1;
	v32 =	vld [tilespmem:s21+$0xFFFFFEE0]  }
0x116: {  	v7 =	vbroadcast v5, $0x5;
	v11 =	vshll.u32 v11, v19;
	v33 =	vand.u32 $0xFFFF0000, v3;
	v13 =	vld [tilespmem:s21+$0xFFFFFEC0]  }
0x117: {  	v18 =	vand.u32 $0xFFFF0000, v10;
	v12 =	vshll.u32 v9, v20;
	v9 =	vshll.u32 v34, v20;
	v34 =	vld [tilespmem:s21+$0xFFFFFEA0]  }
0x118: {  	v35 =	vand.u32 $0xFFFF0000, v11;
	v3 =	vshll.u32 v28, v8;
	v11 =	vld [tilespmem:s21+$0xFFFFFE70];
	v4 =	vshll.u32 v4, v26  }
0x119: {  	v10 =	vshll.u32 v6, v27;
	v6 =	vand.u32 $0xFFFF0000, v4;
	v28 =	vld [tilespmem:s21+$0xFFFFFF50];
	v4 =	vshll.u32 v31, v8  }
0x11a: {  	v17 =	vshll.u32 v17, v26;
	v31 =	vshll.u32 v23, v19;
	v10 =	vand.u32 $0xFFFF0000, v10;
	v36 =	vld [tilespmem:s21+$0xFFFFFF60]  }
0x11b: {  	v19 =	vadd.f32 v18, v16;
	v16 =	vshll.u32 v13, v27;
	v13 =	vand.u32 $0xFFFF0000, v17;
	v17 =	vld [tilespmem:s21+$0xFFFFFF80]  }
0x11c: {  	v14 =	vshll.u32 v14, v26;
	v18 =	vand.u32 $0xFFFF0000, v9;
	v16 =	vand.u32 $0xFFFF0000, v16;
	v37 =	vld [tilespmem:s21+$0xFFFFFF20]  }
0x11d: {  	v15 =	vshll.u32 v15, v20;
	v9 =	vshll.u32 v11, v20;
	v38 =	vld [tilespmem:s21+$0xFFFFFF10];
	v11 =	vshll.u32 v21, v8  }
0x11e: {  	v24 =	vand.u32 $0xFFFF0000, v15;
	v20 =	vshll.u32 v34, v27;
	v39 =	vand.u32 $0xFFFF0000, v9;
	v34 =	vld [tilespmem:s21+$0xFFFFFEB0]  }
0x11f: {  	v23 =	vadd.f32 v35, v29;
	v35 =	vbroadcast v5, $0x4;
	v40 =	vld [tilespmem:s21+$0xFFFFFF30];
	v9 =	vshll.u32 v36, v7  }
0x120: {  	v31 =	vand.u32 $0xFFFF0000, v31;
	v21 =	vshll.u32 v28, v7;
	v9 =	vand.u32 $0xFFFF0000, v9;
	v29 =	vld [tilespmem:s21+$0xFFFFFFB0]  }
.Ltmp2:
0x121: {  	v33 =	vadd.f32 v33, v22;
	v15 =	vshll.u32 v17, v7;
	v36 =	vshll.u32 v37, v35;
	v28 =	vld [tilespmem:s21+$0xFFFFFF70];
	(pc) =	sbr.rel @p1 .LBB2_7-.Ltmp2, $4  }
0x122: {  	v22 =	vshll.u32 v32, v26;
	v26 =	vshll.u32 v38, v35;
	v17 =	vand.u32 $0xFFFF0000, v36  }
0x123: {  	v33 =	vadd.f32 v39, v33;
	v32 =	vshll.u32 v34, v27;
	v27 =	vand.u32 $0xFFFF0000, v14  }
0x124: {  	v31 =	vadd.f32 v31, v30;
	v30 =	vand.u32 $0xFFFF0000, v32;
	v32 =	vshll.u32 v40, v35;
	v14 =	vld [tilespmem:s21+$0x0]  }
0x125: {  	v26 =	vand.u32 $0xFFFF0000, v26;
	v30 =	vadd.f32 v30, v33;
	v33 =	vshll.u32 v25, v35;
	v25 =	vld [tilespmem:s21+$0xFFFFFFD0];
	s21 =	sadd.s32 $0x200, s21  }
0x126: {  	v1 =	vand.u32 $0xFFFF0000, v12  }
0x127: {  	v8 =	vshll.u32 v29, v8;
	v5 =	vbroadcast v5, $0x7;
	v53 =	vadd.f32 v24, v19  }
0x128: {  	v54 =	vand.u32 $0xFFFF0000, v33;
	v18 =	vadd.f32 v18, v31;
	v55 =	vand.u32 $0xFFFF0000, v32  }
0x129: {  	v7 =	vshll.u32 v28, v7;
	v56 =	vand.u32 $0xFFFF0000, v20;
	v1 =	vadd.f32 v1, v23  }
0x12a: {  	v57 =	vand.u32 $0xFFFF0000, v22;
	v58 =	vand.u32 $0xFFFF0000, v21;
	v11 =	vand.u32 $0xFFFF0000, v11  }
0x12b: {  	v60 =	vand.u32 $0xFFFF0000, v15;
	v3 =	vand.u32 $0xFFFF0000, v3;
	v1 =	vadd.f32 v10, v1  }
0x12c: {  	v4 =	vand.u32 $0xFFFF0000, v4;
	v13 =	vadd.f32 v13, v30;
	v10 =	vadd.f32 v56, v18  }
0x12d: {  	v8 =	vand.u32 $0xFFFF0000, v8;
	v12 =	vadd.f32 v16, v53;
	v1 =	vadd.f32 v6, v1  }
0x12e: {  	v7 =	vand.u32 $0xFFFF0000, v7;
	v13 =	vadd.f32 v55, v13;
	v10 =	vadd.f32 v57, v10  }
0x12f: {  	v0 =	vshll.u32 v0, v5;
	v12 =	vadd.f32 v27, v12;
	v1 =	vadd.f32 v26, v1  }
0x130: {  	v2 =	vshll.u32 v2, v5;
	v7 =	vadd.f32 v7, v13;
	v10 =	vadd.f32 v17, v10  }
0x131: {  	v0 =	vand.u32 $0xFFFF0000, v0;
	v12 =	vadd.f32 v54, v12;
	v1 =	vadd.f32 v58, v1  }
0x132: {  	v2 =	vand.u32 $0xFFFF0000, v2;
	v7 =	vadd.f32 v8, v7;
	v9 =	vadd.f32 v9, v10  }
0x133: {  	s18 =	sadd.s32 @!p0 $0x258, s18;
	v59 =	vshll.u32 v25, v5;
	v6 =	vadd.f32 v60, v12;
	v1 =	vadd.f32 v11, v1  }
0x134: {  	s20 =	simm.s32 @!p0 $0xC8;
	s21 =	simm.s32 @!p0 $0xFA10;
	s15 =	sadd.s32 $0x1, s15;
	v61 =	vand.u32 $0xFFFF0000, v59;
	v0 =	vadd.f32 v0, v7;
	v3 =	vadd.f32 v3, v9  }
0x135: {  	[tilespmem:s21], [sflag:$0x2] =	stream.indirect.gather @!p0 [hbm4b:s3+s20], $0x40, s18, s20, $0xb8;
	v5 =	vshll.u32 v14, v5;
	v4 =	vadd.f32 v4, v6;
	v1 =	vadd.f32 v61, v1;
	[tilespmem:$0x14C10] =	vst v63  }
0x136: {  	s31 =	sshll.u32 s19, $0x6;
	p0 =	sne.s32 s15, $0x40;
	v62 =	vand.u32 $0xFFFF0000, v5;
	v0 =	vmul.f32 $4.999999890e-03, v0;
	v2 =	vadd.f32 v2, v3  }
.Ltmp3:
0x137: {  	s18 =	sand.u32 $0x3FFFFFC0, s31;
	v3 =	vadd.f32 v62, v4;
	v1 =	vmul.f32 $4.999999890e-03, v1;
	(pc) =	sbr.rel @p0 .LBB2_4-.Ltmp3, $4  }
0x138: {  	[tilespmem:s18+$0x12C30] =	vst v0;
	v2 =	vmul.f32 $4.999999890e-03, v2  }
0x139: {  	v63 =	vmul.f32 $4.999999890e-03, v3;
	[tilespmem:s18+$0x12C10] =	vst v1  }
0x13a: {  	[tilespmem:s18+$0x12C20] =	vst v2  }
0x13b: {  	s16 =	sadd.s32 $0x190, s16;
	s17 =	sadd.s32 $0x190, s17;
	[tilespmem:s18+$0x12C40] =	vst v63  }
0x13c: {  	s14 =	sadd.s32 $0x1, s14  }
0x13d: {  	p0 =	sne.s32 s14, s6  }
.Ltmp4:
0x13e: {  	_ = 	snop;
	(pc) =	sbr.rel @p0 .LBB2_1-.Ltmp4, $4  }
0x13f: {  	[hbm4b:s5+s2] =	stream.linear.scatter [tilespmem:s13], [sflag:$0x3], $0x2000, $0x38;
	[tilespmem:$0x14C10] =	vst v63  }
0x140: {  	_ =	swait.ge [sflag:s7], $0x2000  }
0x141: {  	[sflag:s7] =	ssyncset.done $0x0  }
0x142: {  	[sflag:s7] =	ssyncadd.s32 $0xFFFFE000  }
0x143: {  	_ =	sfence.sel $0x180000  }
0x144: {  	[bflag:$0x0] =	sbarrier.arrive $0xFFFF  }
0x145: {  	p0 =	sne.s32 s0, $0x0;
	_ =	strace $0x90000047  }
0x146: {  	s0 =	sadd.s32 @!p0 $0x100000, s1;
	[bflag:$0x2] =	sbarrier.arrive $0xFFFF  }
0x147: {  	[sflag:s0] =	ssyncadd.tile.s32 @!p0 $0x1;
	_ =	shalt  }
.Lfunc_end2:
_tile_overlayer_lowered:
.L_overlay_start_2:
0x148: {  	(tag) =	ssettag $0x2  }
0x149: {  	s0 =	rddreg [dreg:$0x0];
	s2 =	stileid.u32  }
0x14a: {  	s1 =	rddreg [dreg:$0x1];
	p0 =	sne.s32 s2, $0x0  }
0x14b: {  	s3 =	rddreg [dreg:$0x2];
	[bflag:$0x3] =	sbarrier.arrive $0xFFFF;
	s2 =	simm.s32 @!p0 $0x1C03  }
0x14c: {  	[timem:s3], [sflag:s2] =	dma.local @!p0 [hbm:s0], s1  }
0x14d: {  	s0 =	simm.s32 @!p0 $0x3  }
0x14e: {  	_ =	swait.ge @!p0 [sflag:s0], s1  }
0x14f: {  	s1 =	ssub.s32 @!p0 $0x0, s1;
	[sflag:s0] =	ssyncset.done @!p0 $0x0  }
0x150: {  	[sflag:s0] =	ssyncadd.s32 @!p0 s1  }
0x151: {  	[bflag:$0x3] =	sbarrier.arrive $0xFFFF  }
0x152: {  	_ =	shalt  }

</sc_bundles>
